<compile_context>
chip_gen: v7x
topology: tpu7x:2x2x1
jax: 0.10.2.dev20260603
libtpu: 0.0.44.dev20260713+nightly
codegen_flags: <defaults>
</compile_context>

<pallas_src>
import functools

import jax
import jax.numpy as jnp
from jax import lax
from jax.experimental import pallas as pl
from jax.experimental.pallas import tpu as pltpu
from jax.experimental.pallas import tpu_sc as plsc

_K = 5
_LANES = 16
_NEG = -3.0e38


def _insert_topk(t, ts):
    out = []
    for cur in ts:
        hi = jnp.maximum(cur, t)
        t = jnp.minimum(cur, t)
        out.append(hi)
    return out


def _sc_topk_body(x_hbm, out_hbm, buf0, buf1, outv, sem0, sem1,
                  *, rows_per_worker, rb, s, unroll):
    wid = lax.axis_index("s") * 2 + lax.axis_index("c")
    row0 = wid * rows_per_worker
    nblk = rows_per_worker // rb
    iota = lax.iota(jnp.int32, _LANES)

    def start(blk, buf, sem):
        off = (row0 + blk * rb) * s
        return pltpu.async_copy(x_hbm.at[pl.ds(off, rb * s)], buf, sem)

    def wait(buf, sem):
        pltpu.make_async_copy(x_hbm.at[pl.ds(0, rb * s)], buf, sem).wait()

    def process(blk, buf):
        def g_body(g, _):
            rowbase = (g * _LANES + iota) * s
            end = rowbase + s
            init = tuple(jnp.full((_LANES,), _NEG, jnp.float32)
                         for _ in range(_K)) + (rowbase + iota,)

            def step(t, carry):
                ts, idx = list(carry[:_K]), carry[_K]
                v = plsc.load_gather(buf, [idx])
                ts = _insert_topk(v, ts)
                nxt = idx + 1
                nxt = jnp.where(nxt == end, rowbase, nxt)
                return tuple(ts) + (nxt,)

            carry = lax.fori_loop(0, s, step, init, unroll=unroll)
            res = carry[0]
            for t_ in carry[1:_K]:
                res = res + t_
            outv[pl.ds(blk * rb + g * _LANES, _LANES)] = res
            return 0

        lax.fori_loop(0, rb // _LANES, g_body, 0, unroll=False)

    start(0, buf0, sem0)

    def pair_body(i, _):
        b0 = 2 * i
        start(b0 + 1, buf1, sem1)
        wait(buf0, sem0)
        process(b0, buf0)

        @pl.when(i < nblk // 2 - 1)
        def _():
            start(b0 + 2, buf0, sem0)

        wait(buf1, sem1)
        process(b0 + 1, buf1)
        return 0

    lax.fori_loop(0, nblk // 2, pair_body, 0, unroll=False)
    pltpu.sync_copy(outv, out_hbm.at[pl.ds(row0, rows_per_worker)])


def _matmul_body(sim_ref, w_ref, o_ref):
    o_ref[...] = jax.lax.dot_general(
        sim_ref[...], w_ref[...], (((1,), (0,)), ((), ())),
        precision=jax.lax.Precision.HIGHEST,
        preferred_element_type=jnp.float32) * (1.0 / _K)


def kernel(prototype_activations, W):
    b, p = prototype_activations.shape[:2]
    s = prototype_activations.shape[2] * prototype_activations.shape[3]
    rows = b * p
    n_workers = 32
    rows_per_worker = rows // n_workers
    rb = 32

    x1 = prototype_activations.reshape(rows * s)

    body = functools.partial(
        _sc_topk_body, rows_per_worker=rows_per_worker, rb=rb, s=s, unroll=8)
    sc_call = pl.kernel(
        body,
        mesh=plsc.VectorSubcoreMesh(core_axis_name="c", subcore_axis_name="s"),
        compiler_params=pltpu.CompilerParams(needs_layout_passes=False),
        out_type=jax.ShapeDtypeStruct((rows,), jnp.float32),
        scratch_types=[
            pltpu.VMEM((rb * s,), jnp.float32),
            pltpu.VMEM((rb * s,), jnp.float32),
            pltpu.VMEM((rows_per_worker,), jnp.float32),
            pltpu.SemaphoreType.DMA,
            pltpu.SemaphoreType.DMA,
        ],
    )
    top5_sums = sc_call(x1)
    sim = top5_sums.reshape(b, p)

    c = W.shape[0]
    logits = pl.pallas_call(
        _matmul_body,
        in_specs=[
            pl.BlockSpec((b, p), lambda: (0, 0)),
            pl.BlockSpec((p, c), lambda: (0, 0)),
        ],
        out_specs=pl.BlockSpec((b, c), lambda: (0, 0)),
        out_shape=jax.ShapeDtypeStruct((b, c), jnp.float32),
    )(sim, W.T)
    return logits

# --- scband reference (transcript-rebuilt; emitter-appended) ---
"""Pipeline reference for scband-linear-class-prototype-prediction-head-69913477644541 (READ-ONLY COPY).

The authoritative reference and input builder live on the scoring server;
editing this copy changes nothing except your own understanding.
"""

import jax, jax.numpy as jnp
import numpy as np

NUM_PROTOTYPES = 100
NUM_CLASSES = 10
INCORRECT = -0.5
K = 5

def _make_identity():
    pci = np.zeros((NUM_PROTOTYPES, NUM_CLASSES), dtype=np.float32)
    per = NUM_PROTOTYPES // NUM_CLASSES
    for i in range(NUM_PROTOTYPES):
        pci[i, i // per] = 1.0
    return pci

def setup_inputs(seed: int = 0):
    key = jax.random.key(seed)
    acts = jax.random.uniform(key, (512, NUM_PROTOTYPES, 28, 28), dtype=jnp.float32)
    pci = jnp.asarray(_make_identity())
    # nn.Linear weight is [out=num_classes, in=num_prototypes], initialized from class identity
    W = 1.0 * pci.T + INCORRECT * (1.0 - pci.T)
    return {"prototype_activations": acts, "W": W}

def reference(prototype_activations, W):
    B = prototype_activations.shape[0]
    P = prototype_activations.shape[1]
    a = prototype_activations.reshape(B, P, -1)
    k = min(K, a.shape[-1])
    topk_vals, _ = jax.lax.top_k(a, k)
    sim = jnp.mean(topk_vals, axis=-1)  # [B, P]
    logits = sim @ W.T  # [B, num_classes]
    return logits

if __name__ == "__main__":
    import jax
    _d = setup_inputs()
    print(jax.jit(kernel)(*tuple(_d.values())))

</pallas_src>

<mosaic_0001>
#map = affine_map<(d0, d1) -> (0)>
module attributes {stable_mosaic.version = 14 : i64} {
  func.func @_sc_topk_body(%arg0: i32, %arg1: i32, %arg2: memref<40140800xf32, #tpu.memory_space<hbm>>, %arg3: memref<51200xf32, #tpu.memory_space<hbm>>, %arg4: memref<25088xf32, #tpu.memory_space<vmem>>, %arg5: memref<25088xf32, #tpu.memory_space<vmem>>, %arg6: memref<1600xf32, #tpu.memory_space<vmem>>, %arg7: memref<!tpu.dma_semaphore, #tpu.memory_space<semaphore_mem>>, %arg8: memref<!tpu.dma_semaphore, #tpu.memory_space<semaphore_mem>>) attributes {dimension_semantics = [#tpu.dimension_semantics<core_parallel>, #tpu.dimension_semantics<subcore_parallel>], iteration_bounds = array<i64: 2, 16>, scalar_prefetch = 0 : i64, scratch_operands = 5 : i64, tpu.core_type = #tpu.core_type<sc_vector_subcore>, window_params = [{transform_indices = #map}, {transform_indices = #map}]} {
    %mul3A = arith.constant 2 : i32
    %mul3A_0 = arith.muli %arg1, %mul3A : i32
    %add3A = arith.addi %mul3A_0, %arg0 : i32
    %mul3A_1 = arith.constant 1600 : i32
    %mul3A_2 = arith.muli %add3A, %mul3A_1 : i32
    %iota3A = tpu.iota {dimensions = array<i32: 0>} : vector<16xi32>
    %add3A_3 = arith.constant 0 : i32
    %add3A_4 = arith.addi %mul3A_2, %add3A_3 : i32
    %mul3A_5 = arith.constant 784 : i32
    %mul3A_6 = arith.muli %add3A_4, %mul3A_5 : i32
    %dma_start3A = tpu.memref_slice %arg2[%mul3A_6] : memref<40140800xf32, #tpu.memory_space<hbm>> -> memref<25088xf32, #tpu.memory_space<hbm>>
    %dma_start3A_7 = tpu.memref_slice %arg2[%mul3A_6] : memref<40140800xf32, #tpu.memory_space<hbm>> -> memref<25088xf32, #tpu.memory_space<hbm>>
    tpu.enqueue_dma source(%dma_start3A_7 : memref<25088xf32, #tpu.memory_space<hbm>>) target(%arg4 : memref<25088xf32, #tpu.memory_space<vmem>>) target_semaphore(%arg7 : memref<!tpu.dma_semaphore, #tpu.memory_space<semaphore_mem>>)
    %scan3A = arith.constant 0 : i32
    %scan3A_8 = arith.constant 0 : i32
    %scan3A_9 = arith.constant 25 : i32
    %scan3A_10 = arith.addi %scan3A_8, %scan3A_9 : i32
    %scan3A_11 = arith.constant 1 : i32
    %scan3A_12 = scf.for %scan3A_14 = %scan3A_8 to %scan3A_10 step %scan3A_11 iter_args(%scan3A_15 = %scan3A) -> (i32)  : i32 {
      %mul3A_16 = arith.constant 2 : i32
      %mul3A_17 = arith.muli %mul3A_16, %scan3A_14 : i32
      %add3A_18 = arith.constant 1 : i32
      %add3A_19 = arith.addi %mul3A_17, %add3A_18 : i32
      %mul3A_20 = arith.constant 32 : i32
      %mul3A_21 = arith.muli %add3A_19, %mul3A_20 : i32
      %add3A_22 = arith.addi %mul3A_2, %mul3A_21 : i32
      %mul3A_23 = arith.constant 784 : i32
      %mul3A_24 = arith.muli %add3A_22, %mul3A_23 : i32
      %dma_start3A_25 = tpu.memref_slice %arg2[%mul3A_24] : memref<40140800xf32, #tpu.memory_space<hbm>> -> memref<25088xf32, #tpu.memory_space<hbm>>
      %dma_start3A_26 = tpu.memref_slice %arg2[%mul3A_24] : memref<40140800xf32, #tpu.memory_space<hbm>> -> memref<25088xf32, #tpu.memory_space<hbm>>
      tpu.enqueue_dma source(%dma_start3A_26 : memref<25088xf32, #tpu.memory_space<hbm>>) target(%arg5 : memref<25088xf32, #tpu.memory_space<vmem>>) target_semaphore(%arg8 : memref<!tpu.dma_semaphore, #tpu.memory_space<semaphore_mem>>)
      %dma_wait3A = arith.constant 0 : i32
      %dma_wait3A_27 = tpu.memref_slice %arg2[%dma_wait3A] : memref<40140800xf32, #tpu.memory_space<hbm>> -> memref<25088xf32, #tpu.memory_space<hbm>>
      %dma_wait3A_28 = arith.constant 0 : i32
      %dma_wait3A_29 = tpu.memref_slice %arg2[%dma_wait3A_28] : memref<40140800xf32, #tpu.memory_space<hbm>> -> memref<25088xf32, #tpu.memory_space<hbm>>
      tpu.wait_dma2 semaphore(%arg7 : memref<!tpu.dma_semaphore, #tpu.memory_space<semaphore_mem>>) src(%dma_wait3A_29 : memref<25088xf32, #tpu.memory_space<hbm>>) dst(%arg4 : memref<25088xf32, #tpu.memory_space<vmem>>)
      %scan3A_30 = arith.constant 0 : i32
      %scan3A_31 = arith.constant 0 : i32
      %scan3A_32 = arith.constant 2 : i32
      %scan3A_33 = arith.addi %scan3A_31, %scan3A_32 : i32
      %scan3A_34 = arith.constant 1 : i32
      %scan3A_35 = scf.for %scan3A_53 = %scan3A_31 to %scan3A_33 step %scan3A_34 iter_args(%scan3A_54 = %scan3A_30) -> (i32)  : i32 {
        %mul3A_55 = arith.constant 16 : i32
        %mul3A_56 = arith.muli %scan3A_53, %mul3A_55 : i32
        %add3A_57 = vector.broadcast %mul3A_56 : i32 to vector<16xi32>
        %add3A_58 = arith.addi %add3A_57, %iota3A : vector<16xi32>
        %mul3A_59 = arith.constant 784 : i32
        %mul3A_60 = vector.broadcast %mul3A_59 : i32 to vector<16xi32>
        %mul3A_61 = arith.muli %add3A_58, %mul3A_60 : vector<16xi32>
        %add3A_62 = arith.constant 784 : i32
        %add3A_63 = vector.broadcast %add3A_62 : i32 to vector<16xi32>
        %add3A_64 = arith.addi %mul3A_61, %add3A_63 : vector<16xi32>
        %broadcast_in_dim3A = arith.constant -3.000000e+38 : f32
        %broadcast_in_dim3A_65 = vector.broadcast %broadcast_in_dim3A : f32 to vector<16xf32>
        %broadcast_in_dim3A_66 = arith.constant -3.000000e+38 : f32
        %broadcast_in_dim3A_67 = vector.broadcast %broadcast_in_dim3A_66 : f32 to vector<16xf32>
        %broadcast_in_dim3A_68 = arith.constant -3.000000e+38 : f32
        %broadcast_in_dim3A_69 = vector.broadcast %broadcast_in_dim3A_68 : f32 to vector<16xf32>
        %broadcast_in_dim3A_70 = arith.constant -3.000000e+38 : f32
        %broadcast_in_dim3A_71 = vector.broadcast %broadcast_in_dim3A_70 : f32 to vector<16xf32>
        %broadcast_in_dim3A_72 = arith.constant -3.000000e+38 : f32
        %broadcast_in_dim3A_73 = vector.broadcast %broadcast_in_dim3A_72 : f32 to vector<16xf32>
        %add3A_74 = arith.addi %mul3A_61, %iota3A : vector<16xi32>
        %scan3A_75 = arith.constant 0 : i32
        %scan3A_76 = arith.constant 784 : i32
        %scan3A_77 = arith.addi %scan3A_75, %scan3A_76 : i32
        %scan3A_78 = arith.constant 8 : i32
        %scan3A_79:6 = scf.for %scan3A_92 = %scan3A_75 to %scan3A_77 step %scan3A_78 iter_args(%scan3A_93 = %broadcast_in_dim3A_65, %scan3A_94 = %broadcast_in_dim3A_67, %scan3A_95 = %broadcast_in_dim3A_69, %scan3A_96 = %broadcast_in_dim3A_71, %scan3A_97 = %broadcast_in_dim3A_73, %scan3A_98 = %add3A_74) -> (vector<16xf32>, vector<16xf32>, vector<16xf32>, vector<16xf32>, vector<16xf32>, vector<16xi32>)  : i32 {
          %gather3A = tpu.vector_load_idx %arg4[%scan3A_98] : memref<25088xf32, #tpu.memory_space<vmem>>[vector<16xi32>], vector<16xf32>,
          %max3A = arith.maximumf %scan3A_93, %gather3A : vector<16xf32>
          %min3A = arith.minimumf %scan3A_93, %gather3A : vector<16xf32>
          %max3A_99 = arith.maximumf %scan3A_94, %min3A : vector<16xf32>
          %min3A_100 = arith.minimumf %scan3A_94, %min3A : vector<16xf32>
          %max3A_101 = arith.maximumf %scan3A_95, %min3A_100 : vector<16xf32>
          %min3A_102 = arith.minimumf %scan3A_95, %min3A_100 : vector<16xf32>
          %max3A_103 = arith.maximumf %scan3A_96, %min3A_102 : vector<16xf32>
          %min3A_104 = arith.minimumf %scan3A_96, %min3A_102 : vector<16xf32>
          %max3A_105 = arith.maximumf %scan3A_97, %min3A_104 : vector<16xf32>
          %min3A_106 = arith.minimumf %scan3A_97, %min3A_104 : vector<16xf32>
          %add3A_107 = arith.constant 1 : i32
          %add3A_108 = vector.broadcast %add3A_107 : i32 to vector<16xi32>
          %add3A_109 = arith.addi %scan3A_98, %add3A_108 : vector<16xi32>
          %eq3A = arith.cmpi eq, %add3A_109, %add3A_64 : vector<16xi32>
          %select_n3A = arith.select %eq3A, %mul3A_61, %add3A_109 : vector<16xi1>, vector<16xi32>
          %scan3A_110 = arith.constant 1 : i32
          %scan3A_111 = arith.addi %scan3A_92, %scan3A_110 : i32
          %gather3A_112 = tpu.vector_load_idx %arg4[%select_n3A] : memref<25088xf32, #tpu.memory_space<vmem>>[vector<16xi32>], vector<16xf32>,
          %max3A_113 = arith.maximumf %max3A, %gather3A_112 : vector<16xf32>
          %min3A_114 = arith.minimumf %max3A, %gather3A_112 : vector<16xf32>
          %max3A_115 = arith.maximumf %max3A_99, %min3A_114 : vector<16xf32>
          %min3A_116 = arith.minimumf %max3A_99, %min3A_114 : vector<16xf32>
          %max3A_117 = arith.maximumf %max3A_101, %min3A_116 : vector<16xf32>
          %min3A_118 = arith.minimumf %max3A_101, %min3A_116 : vector<16xf32>
          %max3A_119 = arith.maximumf %max3A_103, %min3A_118 : vector<16xf32>
          %min3A_120 = arith.minimumf %max3A_103, %min3A_118 : vector<16xf32>
          %max3A_121 = arith.maximumf %max3A_105, %min3A_120 : vector<16xf32>
          %min3A_122 = arith.minimumf %max3A_105, %min3A_120 : vector<16xf32>
          %add3A_123 = arith.constant 1 : i32
          %add3A_124 = vector.broadcast %add3A_123 : i32 to vector<16xi32>
          %add3A_125 = arith.addi %select_n3A, %add3A_124 : vector<16xi32>
          %eq3A_126 = arith.cmpi eq, %add3A_125, %add3A_64 : vector<16xi32>
          %select_n3A_127 = arith.select %eq3A_126, %mul3A_61, %add3A_125 : vector<16xi1>, vector<16xi32>
          %scan3A_128 = arith.constant 2 : i32
          %scan3A_129 = arith.addi %scan3A_92, %scan3A_128 : i32
          %gather3A_130 = tpu.vector_load_idx %arg4[%select_n3A_127] : memref<25088xf32, #tpu.memory_space<vmem>>[vector<16xi32>], vector<16xf32>,
          %max3A_131 = arith.maximumf %max3A_113, %gather3A_130 : vector<16xf32>
          %min3A_132 = arith.minimumf %max3A_113, %gather3A_130 : vector<16xf32>
          %max3A_133 = arith.maximumf %max3A_115, %min3A_132 : vector<16xf32>
          %min3A_134 = arith.minimumf %max3A_115, %min3A_132 : vector<16xf32>
          %max3A_135 = arith.maximumf %max3A_117, %min3A_134 : vector<16xf32>
          %min3A_136 = arith.minimumf %max3A_117, %min3A_134 : vector<16xf32>
          %max3A_137 = arith.maximumf %max3A_119, %min3A_136 : vector<16xf32>
          %min3A_138 = arith.minimumf %max3A_119, %min3A_136 : vector<16xf32>
          %max3A_139 = arith.maximumf %max3A_121, %min3A_138 : vector<16xf32>
          %min3A_140 = arith.minimumf %max3A_121, %min3A_138 : vector<16xf32>
          %add3A_141 = arith.constant 1 : i32
          %add3A_142 = vector.broadcast %add3A_141 : i32 to vector<16xi32>
          %add3A_143 = arith.addi %select_n3A_127, %add3A_142 : vector<16xi32>
          %eq3A_144 = arith.cmpi eq, %add3A_143, %add3A_64 : vector<16xi32>
          %select_n3A_145 = arith.select %eq3A_144, %mul3A_61, %add3A_143 : vector<16xi1>, vector<16xi32>
          %scan3A_146 = arith.constant 3 : i32
          %scan3A_147 = arith.addi %scan3A_92, %scan3A_146 : i32
          %gather3A_148 = tpu.vector_load_idx %arg4[%select_n3A_145] : memref<25088xf32, #tpu.memory_space<vmem>>[vector<16xi32>], vector<16xf32>,
          %max3A_149 = arith.maximumf %max3A_131, %gather3A_148 : vector<16xf32>
          %min3A_150 = arith.minimumf %max3A_131, %gather3A_148 : vector<16xf32>
          %max3A_151 = arith.maximumf %max3A_133, %min3A_150 : vector<16xf32>
          %min3A_152 = arith.minimumf %max3A_133, %min3A_150 : vector<16xf32>
          %max3A_153 = arith.maximumf %max3A_135, %min3A_152 : vector<16xf32>
          %min3A_154 = arith.minimumf %max3A_135, %min3A_152 : vector<16xf32>
          %max3A_155 = arith.maximumf %max3A_137, %min3A_154 : vector<16xf32>
          %min3A_156 = arith.minimumf %max3A_137, %min3A_154 : vector<16xf32>
          %max3A_157 = arith.maximumf %max3A_139, %min3A_156 : vector<16xf32>
          %min3A_158 = arith.minimumf %max3A_139, %min3A_156 : vector<16xf32>
          %add3A_159 = arith.constant 1 : i32
          %add3A_160 = vector.broadcast %add3A_159 : i32 to vector<16xi32>
          %add3A_161 = arith.addi %select_n3A_145, %add3A_160 : vector<16xi32>
          %eq3A_162 = arith.cmpi eq, %add3A_161, %add3A_64 : vector<16xi32>
          %select_n3A_163 = arith.select %eq3A_162, %mul3A_61, %add3A_161 : vector<16xi1>, vector<16xi32>
          %scan3A_164 = arith.constant 4 : i32
          %scan3A_165 = arith.addi %scan3A_92, %scan3A_164 : i32
          %gather3A_166 = tpu.vector_load_idx %arg4[%select_n3A_163] : memref<25088xf32, #tpu.memory_space<vmem>>[vector<16xi32>], vector<16xf32>,
          %max3A_167 = arith.maximumf %max3A_149, %gather3A_166 : vector<16xf32>
          %min3A_168 = arith.minimumf %max3A_149, %gather3A_166 : vector<16xf32>
          %max3A_169 = arith.maximumf %max3A_151, %min3A_168 : vector<16xf32>
          %min3A_170 = arith.minimumf %max3A_151, %min3A_168 : vector<16xf32>
          %max3A_171 = arith.maximumf %max3A_153, %min3A_170 : vector<16xf32>
          %min3A_172 = arith.minimumf %max3A_153, %min3A_170 : vector<16xf32>
          %max3A_173 = arith.maximumf %max3A_155, %min3A_172 : vector<16xf32>
          %min3A_174 = arith.minimumf %max3A_155, %min3A_172 : vector<16xf32>
          %max3A_175 = arith.maximumf %max3A_157, %min3A_174 : vector<16xf32>
          %min3A_176 = arith.minimumf %max3A_157, %min3A_174 : vector<16xf32>
          %add3A_177 = arith.constant 1 : i32
          %add3A_178 = vector.broadcast %add3A_177 : i32 to vector<16xi32>
          %add3A_179 = arith.addi %select_n3A_163, %add3A_178 : vector<16xi32>
          %eq3A_180 = arith.cmpi eq, %add3A_179, %add3A_64 : vector<16xi32>
          %select_n3A_181 = arith.select %eq3A_180, %mul3A_61, %add3A_179 : vector<16xi1>, vector<16xi32>
          %scan3A_182 = arith.constant 5 : i32
          %scan3A_183 = arith.addi %scan3A_92, %scan3A_182 : i32
          %gather3A_184 = tpu.vector_load_idx %arg4[%select_n3A_181] : memref<25088xf32, #tpu.memory_space<vmem>>[vector<16xi32>], vector<16xf32>,
          %max3A_185 = arith.maximumf %max3A_167, %gather3A_184 : vector<16xf32>
          %min3A_186 = arith.minimumf %max3A_167, %gather3A_184 : vector<16xf32>
          %max3A_187 = arith.maximumf %max3A_169, %min3A_186 : vector<16xf32>
          %min3A_188 = arith.minimumf %max3A_169, %min3A_186 : vector<16xf32>
          %max3A_189 = arith.maximumf %max3A_171, %min3A_188 : vector<16xf32>
          %min3A_190 = arith.minimumf %max3A_171, %min3A_188 : vector<16xf32>
          %max3A_191 = arith.maximumf %max3A_173, %min3A_190 : vector<16xf32>
          %min3A_192 = arith.minimumf %max3A_173, %min3A_190 : vector<16xf32>
          %max3A_193 = arith.maximumf %max3A_175, %min3A_192 : vector<16xf32>
          %min3A_194 = arith.minimumf %max3A_175, %min3A_192 : vector<16xf32>
          %add3A_195 = arith.constant 1 : i32
          %add3A_196 = vector.broadcast %add3A_195 : i32 to vector<16xi32>
          %add3A_197 = arith.addi %select_n3A_181, %add3A_196 : vector<16xi32>
          %eq3A_198 = arith.cmpi eq, %add3A_197, %add3A_64 : vector<16xi32>
          %select_n3A_199 = arith.select %eq3A_198, %mul3A_61, %add3A_197 : vector<16xi1>, vector<16xi32>
          %scan3A_200 = arith.constant 6 : i32
          %scan3A_201 = arith.addi %scan3A_92, %scan3A_200 : i32
          %gather3A_202 = tpu.vector_load_idx %arg4[%select_n3A_199] : memref<25088xf32, #tpu.memory_space<vmem>>[vector<16xi32>], vector<16xf32>,
          %max3A_203 = arith.maximumf %max3A_185, %gather3A_202 : vector<16xf32>
          %min3A_204 = arith.minimumf %max3A_185, %gather3A_202 : vector<16xf32>
          %max3A_205 = arith.maximumf %max3A_187, %min3A_204 : vector<16xf32>
          %min3A_206 = arith.minimumf %max3A_187, %min3A_204 : vector<16xf32>
          %max3A_207 = arith.maximumf %max3A_189, %min3A_206 : vector<16xf32>
          %min3A_208 = arith.minimumf %max3A_189, %min3A_206 : vector<16xf32>
          %max3A_209 = arith.maximumf %max3A_191, %min3A_208 : vector<16xf32>
          %min3A_210 = arith.minimumf %max3A_191, %min3A_208 : vector<16xf32>
          %max3A_211 = arith.maximumf %max3A_193, %min3A_210 : vector<16xf32>
          %min3A_212 = arith.minimumf %max3A_193, %min3A_210 : vector<16xf32>
          %add3A_213 = arith.constant 1 : i32
          %add3A_214 = vector.broadcast %add3A_213 : i32 to vector<16xi32>
          %add3A_215 = arith.addi %select_n3A_199, %add3A_214 : vector<16xi32>
          %eq3A_216 = arith.cmpi eq, %add3A_215, %add3A_64 : vector<16xi32>
          %select_n3A_217 = arith.select %eq3A_216, %mul3A_61, %add3A_215 : vector<16xi1>, vector<16xi32>
          %scan3A_218 = arith.constant 7 : i32
          %scan3A_219 = arith.addi %scan3A_92, %scan3A_218 : i32
          %gather3A_220 = tpu.vector_load_idx %arg4[%select_n3A_217] : memref<25088xf32, #tpu.memory_space<vmem>>[vector<16xi32>], vector<16xf32>,
          %max3A_221 = arith.maximumf %max3A_203, %gather3A_220 : vector<16xf32>
          %min3A_222 = arith.minimumf %max3A_203, %gather3A_220 : vector<16xf32>
          %max3A_223 = arith.maximumf %max3A_205, %min3A_222 : vector<16xf32>
          %min3A_224 = arith.minimumf %max3A_205, %min3A_222 : vector<16xf32>
          %max3A_225 = arith.maximumf %max3A_207, %min3A_224 : vector<16xf32>
          %min3A_226 = arith.minimumf %max3A_207, %min3A_224 : vector<16xf32>
          %max3A_227 = arith.maximumf %max3A_209, %min3A_226 : vector<16xf32>
          %min3A_228 = arith.minimumf %max3A_209, %min3A_226 : vector<16xf32>
          %max3A_229 = arith.maximumf %max3A_211, %min3A_228 : vector<16xf32>
          %min3A_230 = arith.minimumf %max3A_211, %min3A_228 : vector<16xf32>
          %add3A_231 = arith.constant 1 : i32
          %add3A_232 = vector.broadcast %add3A_231 : i32 to vector<16xi32>
          %add3A_233 = arith.addi %select_n3A_217, %add3A_232 : vector<16xi32>
          %eq3A_234 = arith.cmpi eq, %add3A_233, %add3A_64 : vector<16xi32>
          %select_n3A_235 = arith.select %eq3A_234, %mul3A_61, %add3A_233 : vector<16xi1>, vector<16xi32>
          scf.yield %max3A_221, %max3A_223, %max3A_225, %max3A_227, %max3A_229, %select_n3A_235 : vector<16xf32>, vector<16xf32>, vector<16xf32>, vector<16xf32>, vector<16xf32>, vector<16xi32>
        }
        %scan3A_80 = arith.constant 784 : i32
        %add3A_81 = arith.addf %scan3A_79#0, %scan3A_79#1 : vector<16xf32>
        %add3A_82 = arith.addf %add3A_81, %scan3A_79#2 : vector<16xf32>
        %add3A_83 = arith.addf %add3A_82, %scan3A_79#3 : vector<16xf32>
        %add3A_84 = arith.addf %add3A_83, %scan3A_79#4 : vector<16xf32>
        %mul3A_85 = arith.constant 32 : i32
        %mul3A_86 = arith.muli %mul3A_17, %mul3A_85 : i32
        %mul3A_87 = arith.constant 16 : i32
        %mul3A_88 = arith.muli %scan3A_53, %mul3A_87 : i32
        %add3A_89 = arith.addi %mul3A_86, %mul3A_88 : i32
        %swap3A = arith.index_cast %add3A_89 : i32 to index
        %swap3A_90 = tpu.vector_load %arg6[%swap3A] {strides = array<i32>} : memref<1600xf32, #tpu.memory_space<vmem>>, vector<16xf32>,
        tpu.vector_store %arg6[%swap3A], %add3A_84 {strides = array<i32>} : memref<1600xf32, #tpu.memory_space<vmem>>, vector<16xf32>,
        %scan3A_91 = arith.constant 0 : i32
        scf.yield %scan3A_91 : i32
      }
      %scan3A_36 = arith.constant 2 : i32
      %lt3A = arith.constant 24 : i32
      %lt3A_37 = arith.cmpi slt, %scan3A_14, %lt3A : i32
      %convert_element_type3A = arith.extui %lt3A_37 : i1 to i32
      %cond3A = arith.constant 0 : i32
      %cond3A_38 = arith.cmpi ne, %convert_element_type3A, %cond3A : i32
      scf.if %cond3A_38 {
        %add3A_53 = arith.constant 2 : i32
        %add3A_54 = arith.addi %mul3A_17, %add3A_53 : i32
        %mul3A_55 = arith.constant 32 : i32
        %mul3A_56 = arith.muli %add3A_54, %mul3A_55 : i32
        %add3A_57 = arith.addi %mul3A_2, %mul3A_56 : i32
        %mul3A_58 = arith.constant 784 : i32
        %mul3A_59 = arith.muli %add3A_57, %mul3A_58 : i32
        %dma_start3A_60 = tpu.memref_slice %arg2[%mul3A_59] : memref<40140800xf32, #tpu.memory_space<hbm>> -> memref<25088xf32, #tpu.memory_space<hbm>>
        %dma_start3A_61 = tpu.memref_slice %arg2[%mul3A_59] : memref<40140800xf32, #tpu.memory_space<hbm>> -> memref<25088xf32, #tpu.memory_space<hbm>>
        tpu.enqueue_dma source(%dma_start3A_61 : memref<25088xf32, #tpu.memory_space<hbm>>) target(%arg4 : memref<25088xf32, #tpu.memory_space<vmem>>) target_semaphore(%arg7 : memref<!tpu.dma_semaphore, #tpu.memory_space<semaphore_mem>>)
      } else {
      }
      %dma_wait3A_39 = arith.constant 0 : i32
      %dma_wait3A_40 = tpu.memref_slice %arg2[%dma_wait3A_39] : memref<40140800xf32, #tpu.memory_space<hbm>> -> memref<25088xf32, #tpu.memory_space<hbm>>
      %dma_wait3A_41 = arith.constant 0 : i32
      %dma_wait3A_42 = tpu.memref_slice %arg2[%dma_wait3A_41] : memref<40140800xf32, #tpu.memory_space<hbm>> -> memref<25088xf32, #tpu.memory_space<hbm>>
      tpu.wait_dma2 semaphore(%arg8 : memref<!tpu.dma_semaphore, #tpu.memory_space<semaphore_mem>>) src(%dma_wait3A_42 : memref<25088xf32, #tpu.memory_space<hbm>>) dst(%arg5 : memref<25088xf32, #tpu.memory_space<vmem>>)
      %add3A_43 = arith.constant 1 : i32
      %add3A_44 = arith.addi %mul3A_17, %add3A_43 : i32
      %scan3A_45 = arith.constant 0 : i32
      %scan3A_46 = arith.constant 0 : i32
      %scan3A_47 = arith.constant 2 : i32
      %scan3A_48 = arith.addi %scan3A_46, %scan3A_47 : i32
      %scan3A_49 = arith.constant 1 : i32
      %scan3A_50 = scf.for %scan3A_53 = %scan3A_46 to %scan3A_48 step %scan3A_49 iter_args(%scan3A_54 = %scan3A_45) -> (i32)  : i32 {
        %mul3A_55 = arith.constant 16 : i32
        %mul3A_56 = arith.muli %scan3A_53, %mul3A_55 : i32
        %add3A_57 = vector.broadcast %mul3A_56 : i32 to vector<16xi32>
        %add3A_58 = arith.addi %add3A_57, %iota3A : vector<16xi32>
        %mul3A_59 = arith.constant 784 : i32
        %mul3A_60 = vector.broadcast %mul3A_59 : i32 to vector<16xi32>
        %mul3A_61 = arith.muli %add3A_58, %mul3A_60 : vector<16xi32>
        %add3A_62 = arith.constant 784 : i32
        %add3A_63 = vector.broadcast %add3A_62 : i32 to vector<16xi32>
        %add3A_64 = arith.addi %mul3A_61, %add3A_63 : vector<16xi32>
        %broadcast_in_dim3A = arith.constant -3.000000e+38 : f32
        %broadcast_in_dim3A_65 = vector.broadcast %broadcast_in_dim3A : f32 to vector<16xf32>
        %broadcast_in_dim3A_66 = arith.constant -3.000000e+38 : f32
        %broadcast_in_dim3A_67 = vector.broadcast %broadcast_in_dim3A_66 : f32 to vector<16xf32>
        %broadcast_in_dim3A_68 = arith.constant -3.000000e+38 : f32
        %broadcast_in_dim3A_69 = vector.broadcast %broadcast_in_dim3A_68 : f32 to vector<16xf32>
        %broadcast_in_dim3A_70 = arith.constant -3.000000e+38 : f32
        %broadcast_in_dim3A_71 = vector.broadcast %broadcast_in_dim3A_70 : f32 to vector<16xf32>
        %broadcast_in_dim3A_72 = arith.constant -3.000000e+38 : f32
        %broadcast_in_dim3A_73 = vector.broadcast %broadcast_in_dim3A_72 : f32 to vector<16xf32>
        %add3A_74 = arith.addi %mul3A_61, %iota3A : vector<16xi32>
        %scan3A_75 = arith.constant 0 : i32
        %scan3A_76 = arith.constant 784 : i32
        %scan3A_77 = arith.addi %scan3A_75, %scan3A_76 : i32
        %scan3A_78 = arith.constant 8 : i32
        %scan3A_79:6 = scf.for %scan3A_92 = %scan3A_75 to %scan3A_77 step %scan3A_78 iter_args(%scan3A_93 = %broadcast_in_dim3A_65, %scan3A_94 = %broadcast_in_dim3A_67, %scan3A_95 = %broadcast_in_dim3A_69, %scan3A_96 = %broadcast_in_dim3A_71, %scan3A_97 = %broadcast_in_dim3A_73, %scan3A_98 = %add3A_74) -> (vector<16xf32>, vector<16xf32>, vector<16xf32>, vector<16xf32>, vector<16xf32>, vector<16xi32>)  : i32 {
          %gather3A = tpu.vector_load_idx %arg5[%scan3A_98] : memref<25088xf32, #tpu.memory_space<vmem>>[vector<16xi32>], vector<16xf32>,
          %max3A = arith.maximumf %scan3A_93, %gather3A : vector<16xf32>
          %min3A = arith.minimumf %scan3A_93, %gather3A : vector<16xf32>
          %max3A_99 = arith.maximumf %scan3A_94, %min3A : vector<16xf32>
          %min3A_100 = arith.minimumf %scan3A_94, %min3A : vector<16xf32>
          %max3A_101 = arith.maximumf %scan3A_95, %min3A_100 : vector<16xf32>
          %min3A_102 = arith.minimumf %scan3A_95, %min3A_100 : vector<16xf32>
          %max3A_103 = arith.maximumf %scan3A_96, %min3A_102 : vector<16xf32>
          %min3A_104 = arith.minimumf %scan3A_96, %min3A_102 : vector<16xf32>
          %max3A_105 = arith.maximumf %scan3A_97, %min3A_104 : vector<16xf32>
          %min3A_106 = arith.minimumf %scan3A_97, %min3A_104 : vector<16xf32>
          %add3A_107 = arith.constant 1 : i32
          %add3A_108 = vector.broadcast %add3A_107 : i32 to vector<16xi32>
          %add3A_109 = arith.addi %scan3A_98, %add3A_108 : vector<16xi32>
          %eq3A = arith.cmpi eq, %add3A_109, %add3A_64 : vector<16xi32>
          %select_n3A = arith.select %eq3A, %mul3A_61, %add3A_109 : vector<16xi1>, vector<16xi32>
          %scan3A_110 = arith.constant 1 : i32
          %scan3A_111 = arith.addi %scan3A_92, %scan3A_110 : i32
          %gather3A_112 = tpu.vector_load_idx %arg5[%select_n3A] : memref<25088xf32, #tpu.memory_space<vmem>>[vector<16xi32>], vector<16xf32>,
          %max3A_113 = arith.maximumf %max3A, %gather3A_112 : vector<16xf32>
          %min3A_114 = arith.minimumf %max3A, %gather3A_112 : vector<16xf32>
          %max3A_115 = arith.maximumf %max3A_99, %min3A_114 : vector<16xf32>
          %min3A_116 = arith.minimumf %max3A_99, %min3A_114 : vector<16xf32>
          %max3A_117 = arith.maximumf %max3A_101, %min3A_116 : vector<16xf32>
          %min3A_118 = arith.minimumf %max3A_101, %min3A_116 : vector<16xf32>
          %max3A_119 = arith.maximumf %max3A_103, %min3A_118 : vector<16xf32>
          %min3A_120 = arith.minimumf %max3A_103, %min3A_118 : vector<16xf32>
          %max3A_121 = arith.maximumf %max3A_105, %min3A_120 : vector<16xf32>
          %min3A_122 = arith.minimumf %max3A_105, %min3A_120 : vector<16xf32>
          %add3A_123 = arith.constant 1 : i32
          %add3A_124 = vector.broadcast %add3A_123 : i32 to vector<16xi32>
          %add3A_125 = arith.addi %select_n3A, %add3A_124 : vector<16xi32>
          %eq3A_126 = arith.cmpi eq, %add3A_125, %add3A_64 : vector<16xi32>
          %select_n3A_127 = arith.select %eq3A_126, %mul3A_61, %add3A_125 : vector<16xi1>, vector<16xi32>
          %scan3A_128 = arith.constant 2 : i32
          %scan3A_129 = arith.addi %scan3A_92, %scan3A_128 : i32
          %gather3A_130 = tpu.vector_load_idx %arg5[%select_n3A_127] : memref<25088xf32, #tpu.memory_space<vmem>>[vector<16xi32>], vector<16xf32>,
          %max3A_131 = arith.maximumf %max3A_113, %gather3A_130 : vector<16xf32>
          %min3A_132 = arith.minimumf %max3A_113, %gather3A_130 : vector<16xf32>
          %max3A_133 = arith.maximumf %max3A_115, %min3A_132 : vector<16xf32>
          %min3A_134 = arith.minimumf %max3A_115, %min3A_132 : vector<16xf32>
          %max3A_135 = arith.maximumf %max3A_117, %min3A_134 : vector<16xf32>
          %min3A_136 = arith.minimumf %max3A_117, %min3A_134 : vector<16xf32>
          %max3A_137 = arith.maximumf %max3A_119, %min3A_136 : vector<16xf32>
          %min3A_138 = arith.minimumf %max3A_119, %min3A_136 : vector<16xf32>
          %max3A_139 = arith.maximumf %max3A_121, %min3A_138 : vector<16xf32>
          %min3A_140 = arith.minimumf %max3A_121, %min3A_138 : vector<16xf32>
          %add3A_141 = arith.constant 1 : i32
          %add3A_142 = vector.broadcast %add3A_141 : i32 to vector<16xi32>
          %add3A_143 = arith.addi %select_n3A_127, %add3A_142 : vector<16xi32>
          %eq3A_144 = arith.cmpi eq, %add3A_143, %add3A_64 : vector<16xi32>
          %select_n3A_145 = arith.select %eq3A_144, %mul3A_61, %add3A_143 : vector<16xi1>, vector<16xi32>
          %scan3A_146 = arith.constant 3 : i32
          %scan3A_147 = arith.addi %scan3A_92, %scan3A_146 : i32
          %gather3A_148 = tpu.vector_load_idx %arg5[%select_n3A_145] : memref<25088xf32, #tpu.memory_space<vmem>>[vector<16xi32>], vector<16xf32>,
          %max3A_149 = arith.maximumf %max3A_131, %gather3A_148 : vector<16xf32>
          %min3A_150 = arith.minimumf %max3A_131, %gather3A_148 : vector<16xf32>
          %max3A_151 = arith.maximumf %max3A_133, %min3A_150 : vector<16xf32>
          %min3A_152 = arith.minimumf %max3A_133, %min3A_150 : vector<16xf32>
          %max3A_153 = arith.maximumf %max3A_135, %min3A_152 : vector<16xf32>
          %min3A_154 = arith.minimumf %max3A_135, %min3A_152 : vector<16xf32>
          %max3A_155 = arith.maximumf %max3A_137, %min3A_154 : vector<16xf32>
          %min3A_156 = arith.minimumf %max3A_137, %min3A_154 : vector<16xf32>
          %max3A_157 = arith.maximumf %max3A_139, %min3A_156 : vector<16xf32>
          %min3A_158 = arith.minimumf %max3A_139, %min3A_156 : vector<16xf32>
          %add3A_159 = arith.constant 1 : i32
          %add3A_160 = vector.broadcast %add3A_159 : i32 to vector<16xi32>
          %add3A_161 = arith.addi %select_n3A_145, %add3A_160 : vector<16xi32>
          %eq3A_162 = arith.cmpi eq, %add3A_161, %add3A_64 : vector<16xi32>
          %select_n3A_163 = arith.select %eq3A_162, %mul3A_61, %add3A_161 : vector<16xi1>, vector<16xi32>
          %scan3A_164 = arith.constant 4 : i32
          %scan3A_165 = arith.addi %scan3A_92, %scan3A_164 : i32
          %gather3A_166 = tpu.vector_load_idx %arg5[%select_n3A_163] : memref<25088xf32, #tpu.memory_space<vmem>>[vector<16xi32>], vector<16xf32>,
          %max3A_167 = arith.maximumf %max3A_149, %gather3A_166 : vector<16xf32>
          %min3A_168 = arith.minimumf %max3A_149, %gather3A_166 : vector<16xf32>
          %max3A_169 = arith.maximumf %max3A_151, %min3A_168 : vector<16xf32>
          %min3A_170 = arith.minimumf %max3A_151, %min3A_168 : vector<16xf32>
          %max3A_171 = arith.maximumf %max3A_153, %min3A_170 : vector<16xf32>
          %min3A_172 = arith.minimumf %max3A_153, %min3A_170 : vector<16xf32>
          %max3A_173 = arith.maximumf %max3A_155, %min3A_172 : vector<16xf32>
          %min3A_174 = arith.minimumf %max3A_155, %min3A_172 : vector<16xf32>
          %max3A_175 = arith.maximumf %max3A_157, %min3A_174 : vector<16xf32>
          %min3A_176 = arith.minimumf %max3A_157, %min3A_174 : vector<16xf32>
          %add3A_177 = arith.constant 1 : i32
          %add3A_178 = vector.broadcast %add3A_177 : i32 to vector<16xi32>
          %add3A_179 = arith.addi %select_n3A_163, %add3A_178 : vector<16xi32>
          %eq3A_180 = arith.cmpi eq, %add3A_179, %add3A_64 : vector<16xi32>
          %select_n3A_181 = arith.select %eq3A_180, %mul3A_61, %add3A_179 : vector<16xi1>, vector<16xi32>
          %scan3A_182 = arith.constant 5 : i32
          %scan3A_183 = arith.addi %scan3A_92, %scan3A_182 : i32
          %gather3A_184 = tpu.vector_load_idx %arg5[%select_n3A_181] : memref<25088xf32, #tpu.memory_space<vmem>>[vector<16xi32>], vector<16xf32>,
          %max3A_185 = arith.maximumf %max3A_167, %gather3A_184 : vector<16xf32>
          %min3A_186 = arith.minimumf %max3A_167, %gather3A_184 : vector<16xf32>
          %max3A_187 = arith.maximumf %max3A_169, %min3A_186 : vector<16xf32>
          %min3A_188 = arith.minimumf %max3A_169, %min3A_186 : vector<16xf32>
          %max3A_189 = arith.maximumf %max3A_171, %min3A_188 : vector<16xf32>
          %min3A_190 = arith.minimumf %max3A_171, %min3A_188 : vector<16xf32>
          %max3A_191 = arith.maximumf %max3A_173, %min3A_190 : vector<16xf32>
          %min3A_192 = arith.minimumf %max3A_173, %min3A_190 : vector<16xf32>
          %max3A_193 = arith.maximumf %max3A_175, %min3A_192 : vector<16xf32>
          %min3A_194 = arith.minimumf %max3A_175, %min3A_192 : vector<16xf32>
          %add3A_195 = arith.constant 1 : i32
          %add3A_196 = vector.broadcast %add3A_195 : i32 to vector<16xi32>
          %add3A_197 = arith.addi %select_n3A_181, %add3A_196 : vector<16xi32>
          %eq3A_198 = arith.cmpi eq, %add3A_197, %add3A_64 : vector<16xi32>
          %select_n3A_199 = arith.select %eq3A_198, %mul3A_61, %add3A_197 : vector<16xi1>, vector<16xi32>
          %scan3A_200 = arith.constant 6 : i32
          %scan3A_201 = arith.addi %scan3A_92, %scan3A_200 : i32
          %gather3A_202 = tpu.vector_load_idx %arg5[%select_n3A_199] : memref<25088xf32, #tpu.memory_space<vmem>>[vector<16xi32>], vector<16xf32>,
          %max3A_203 = arith.maximumf %max3A_185, %gather3A_202 : vector<16xf32>
          %min3A_204 = arith.minimumf %max3A_185, %gather3A_202 : vector<16xf32>
          %max3A_205 = arith.maximumf %max3A_187, %min3A_204 : vector<16xf32>
          %min3A_206 = arith.minimumf %max3A_187, %min3A_204 : vector<16xf32>
          %max3A_207 = arith.maximumf %max3A_189, %min3A_206 : vector<16xf32>
          %min3A_208 = arith.minimumf %max3A_189, %min3A_206 : vector<16xf32>
          %max3A_209 = arith.maximumf %max3A_191, %min3A_208 : vector<16xf32>
          %min3A_210 = arith.minimumf %max3A_191, %min3A_208 : vector<16xf32>
          %max3A_211 = arith.maximumf %max3A_193, %min3A_210 : vector<16xf32>
          %min3A_212 = arith.minimumf %max3A_193, %min3A_210 : vector<16xf32>
          %add3A_213 = arith.constant 1 : i32
          %add3A_214 = vector.broadcast %add3A_213 : i32 to vector<16xi32>
          %add3A_215 = arith.addi %select_n3A_199, %add3A_214 : vector<16xi32>
          %eq3A_216 = arith.cmpi eq, %add3A_215, %add3A_64 : vector<16xi32>
          %select_n3A_217 = arith.select %eq3A_216, %mul3A_61, %add3A_215 : vector<16xi1>, vector<16xi32>
          %scan3A_218 = arith.constant 7 : i32
          %scan3A_219 = arith.addi %scan3A_92, %scan3A_218 : i32
          %gather3A_220 = tpu.vector_load_idx %arg5[%select_n3A_217] : memref<25088xf32, #tpu.memory_space<vmem>>[vector<16xi32>], vector<16xf32>,
          %max3A_221 = arith.maximumf %max3A_203, %gather3A_220 : vector<16xf32>
          %min3A_222 = arith.minimumf %max3A_203, %gather3A_220 : vector<16xf32>
          %max3A_223 = arith.maximumf %max3A_205, %min3A_222 : vector<16xf32>
          %min3A_224 = arith.minimumf %max3A_205, %min3A_222 : vector<16xf32>
          %max3A_225 = arith.maximumf %max3A_207, %min3A_224 : vector<16xf32>
          %min3A_226 = arith.minimumf %max3A_207, %min3A_224 : vector<16xf32>
          %max3A_227 = arith.maximumf %max3A_209, %min3A_226 : vector<16xf32>
          %min3A_228 = arith.minimumf %max3A_209, %min3A_226 : vector<16xf32>
          %max3A_229 = arith.maximumf %max3A_211, %min3A_228 : vector<16xf32>
          %min3A_230 = arith.minimumf %max3A_211, %min3A_228 : vector<16xf32>
          %add3A_231 = arith.constant 1 : i32
          %add3A_232 = vector.broadcast %add3A_231 : i32 to vector<16xi32>
          %add3A_233 = arith.addi %select_n3A_217, %add3A_232 : vector<16xi32>
          %eq3A_234 = arith.cmpi eq, %add3A_233, %add3A_64 : vector<16xi32>
          %select_n3A_235 = arith.select %eq3A_234, %mul3A_61, %add3A_233 : vector<16xi1>, vector<16xi32>
          scf.yield %max3A_221, %max3A_223, %max3A_225, %max3A_227, %max3A_229, %select_n3A_235 : vector<16xf32>, vector<16xf32>, vector<16xf32>, vector<16xf32>, vector<16xf32>, vector<16xi32>
        }
        %scan3A_80 = arith.constant 784 : i32
        %add3A_81 = arith.addf %scan3A_79#0, %scan3A_79#1 : vector<16xf32>
        %add3A_82 = arith.addf %add3A_81, %scan3A_79#2 : vector<16xf32>
        %add3A_83 = arith.addf %add3A_82, %scan3A_79#3 : vector<16xf32>
        %add3A_84 = arith.addf %add3A_83, %scan3A_79#4 : vector<16xf32>
        %mul3A_85 = arith.constant 32 : i32
        %mul3A_86 = arith.muli %add3A_44, %mul3A_85 : i32
        %mul3A_87 = arith.constant 16 : i32
        %mul3A_88 = arith.muli %scan3A_53, %mul3A_87 : i32
        %add3A_89 = arith.addi %mul3A_86, %mul3A_88 : i32
        %swap3A = arith.index_cast %add3A_89 : i32 to index
        %swap3A_90 = tpu.vector_load %arg6[%swap3A] {strides = array<i32>} : memref<1600xf32, #tpu.memory_space<vmem>>, vector<16xf32>,
        tpu.vector_store %arg6[%swap3A], %add3A_84 {strides = array<i32>} : memref<1600xf32, #tpu.memory_space<vmem>>, vector<16xf32>,
        %scan3A_91 = arith.constant 0 : i32
        scf.yield %scan3A_91 : i32
      }
      %scan3A_51 = arith.constant 2 : i32
      %scan3A_52 = arith.constant 0 : i32
      scf.yield %scan3A_52 : i32
    }
    %scan3A_13 = arith.constant 25 : i32
    "tpu.region"() ({
      %run_scoped3A = tpu.sem_alloc : memref<!tpu.dma_semaphore, #tpu.memory_space<semaphore_mem>>
      %dma_start3A_14 = tpu.memref_slice %arg3[%mul3A_2] : memref<51200xf32, #tpu.memory_space<hbm>> -> memref<1600xf32, #tpu.memory_space<hbm>>
      %dma_start3A_15 = tpu.memref_slice %arg3[%mul3A_2] : memref<51200xf32, #tpu.memory_space<hbm>> -> memref<1600xf32, #tpu.memory_space<hbm>>
      tpu.enqueue_dma source(%arg6 : memref<1600xf32, #tpu.memory_space<vmem>>) target(%dma_start3A_15 : memref<1600xf32, #tpu.memory_space<hbm>>) target_semaphore(%run_scoped3A : memref<!tpu.dma_semaphore, #tpu.memory_space<semaphore_mem>>)
      %dma_wait3A = tpu.memref_slice %arg3[%mul3A_2] : memref<51200xf32, #tpu.memory_space<hbm>> -> memref<1600xf32, #tpu.memory_space<hbm>>
      %dma_wait3A_16 = tpu.memref_slice %arg3[%mul3A_2] : memref<51200xf32, #tpu.memory_space<hbm>> -> memref<1600xf32, #tpu.memory_space<hbm>>
      tpu.wait_dma2 semaphore(%run_scoped3A : memref<!tpu.dma_semaphore, #tpu.memory_space<semaphore_mem>>) src(%arg6 : memref<1600xf32, #tpu.memory_space<vmem>>) dst(%dma_wait3A_16 : memref<1600xf32, #tpu.memory_space<hbm>>)
      tpu.yield
    }) : () -> ()
    return
  }
}

module attributes {stable_mosaic.version = 14 : i64} {
  func.func @_matmul_body(%arg0: memref<512x100xf32, #tpu.memory_space<vmem>>, %arg1: memref<100x10xf32, #tpu.memory_space<vmem>>, %arg2: memref<512x10xf32, #tpu.memory_space<vmem>>) attributes {dimension_semantics = [], scalar_prefetch = 0 : i64, scratch_operands = 0 : i64, tpu.core_type = #tpu.core_type<tc>} {
    %get3A = arith.constant 0 : index
    %get3A_0 = arith.constant 0 : index
    %get3A_1 = vector.load %arg0[%get3A, %get3A_0] : memref<512x100xf32, #tpu.memory_space<vmem>>, vector<512x100xf32>
    %get3A_2 = arith.constant 0 : index
    %get3A_3 = arith.constant 0 : index
    %get3A_4 = vector.load %arg1[%get3A_2, %get3A_3] : memref<100x10xf32, #tpu.memory_space<vmem>>, vector<100x10xf32>
    %dot_general3A = arith.constant dense<0.000000e+00> : vector<512x10xf32>
    %dot_general3A_5 = tpu.matmul %get3A_1, %get3A_4, %dot_general3A {dimension_numbers = #tpu.dot_dimension_numbers<[1], [0], [0], [1], [0, 0, 1, 1], [], []>, precision = #tpu.contract_precision<fp32>, transpose_lhs_hint = false} : vector<512x100xf32>, vector<100x10xf32>, vector<512x10xf32> -> vector<512x10xf32>
    %mul3A = arith.constant 2.000000e-01 : f32
    %mul3A_6 = vector.broadcast %mul3A : f32 to vector<512x10xf32>
    %mul3A_7 = arith.mulf %dot_general3A_5, %mul3A_6 : vector<512x10xf32>
    %swap3A = arith.constant 0 : index
    %swap3A_8 = arith.constant 0 : index
    %swap3A_9 = vector.load %arg2[%swap3A, %swap3A_8] : memref<512x10xf32, #tpu.memory_space<vmem>>, vector<512x10xf32>
    tpu.vector_store %arg2[%swap3A, %swap3A_8], %mul3A_7 {strides = array<i32>} : memref<512x10xf32, #tpu.memory_space<vmem>>, vector<512x10xf32>,
    return
  }
}

</mosaic_0001>

<sc_bundles>
// kernel: kernel.4.cloned.1.call-start
scs
__scs_entry_jumppad:
0x0: {  	(pc) =	sbr.rel $0x88, $3  }
0x1: {  	(tag) =	ssettag $0x0;
	lr =	simm.s32 $0x1  }
0x2: {  	[smem:$0x3F9F] =	sst lr;
	_ =	strace $0xD0000000  }
0x3: {  	_ = 	snop  }
0x4: {  	_ = 	snop  }
0x5: {  	_ = 	snop  }
0x6: {  	_ = 	snop  }
0x7: {  	_ = 	snop  }
__scs_overlays_trampoline_lowered:
0x8: {  	[smem:$0x3FAE] =	sst s0  }
0x9: {  	[smem:$0x3FAF] =	sst s1  }
0xa: {  	[smem:$0x3FB0] =	sst s2  }
0xb: {  	[smem:$0x3FB1] =	sst s3  }
0xc: {  	[smem:$0x3FB2] =	sst s4  }
0xd: {  	[smem:$0x3FB3] =	sst s5  }
0xe: {  	[smem:$0x3FB4] =	sst s6  }
0xf: {  	[smem:$0x3FB5] =	sst s7  }
0x10: {  	[smem:$0x3FB6] =	sst s8  }
0x11: {  	[smem:$0x3FB7] =	sst s9;
	s0 =	simm.s32 @!p0 $0x0  }
0x12: {  	s1 =	sld [smem:$0x3F9D];
	s0 =	simm.s32 @p0 $0x1  }
0x13: {  	[smem:$0x3FB8] =	sst s0;
	s0 =	simm.s32 @!p1 $0x0  }
0x14: {  	s2 =	sld [smem:$0x3F9C];
	s0 =	simm.s32 @p1 $0x1  }
0x15: {  	[smem:$0x3FB9] =	sst s0;
	s0 =	simm.s32 @!p2 $0x0  }
0x16: {  	s3 =	sld [smem:$0x3FDB];
	s0 =	simm.s32 @p2 $0x1  }
0x17: {  	s4 =	simm.s32 $0x1BF5;
	[smem:$0x3FBB] =	sst s0  }
0x18: {  	s0 =	sld [smem:$0x3F9E];
	_ =	swait.ge [sflag:s4], $0x0  }
0x19: {  	s7 =	sld [smem:$0x3F9F]  }
0x1a: {  	s8 =	sadd.s32 $0xFFFFE003, lr  }
0x1b: {  	s9 =	sadd.s32 $0xFFFFFEF7, lr;
	s5 =	simm.s32 $0xFFFFFFFF;
	p2 =	slt.u32 s8, $0xFFFFF086  }
0x1c: {  	p1 =	slt.u32 s9, $0xF7A;
	s5 =	simm.s32 @!p2 $0x0  }
0x1d: {  	s5 =	simm.s32 @p1 $0x1;
	p0 =	seq.s32 s7, s2  }
0x1e: {  	s7 =	smul.u32 @!p0 $0xF7A, s2;
	p2 =	seq.s32 @!p0 s5, $0x0  }
0x1f: {  	s9 =	smul.u32 $0xF7A, s1;
	s8 =	simm.s32 @!p0 $0x1BF5;
	p2 =	por !p2, p0  }
0x20: {  	[sflag:s8] =	ssyncset.s32 @!p0 $0xFFFFF086;
	s6 =	sadd.s32 @!p0 s3, s7;
	s7 =	simm.s32 @!p0 $0x108  }
0x21: {  	s3 =	sadd.s32 s3, s9;
	s6 =	sadd.s32 @!p0 $0x88, s6;
	s7 =	simm.s32 @p2 $0x1082  }
0x22: {  	[simem:s7], [sflag:s8] =	dma.local @!p0 [hbm:s6], $0xF7A  }
0x23: {  	s9 =	sor.u32 $0xD0000000, s2;
	s6 =	simm.s32 $0x108;
	_ =	swait.ge @!p0 [sflag:s8], $0x0  }
0x24: {  	s3 =	sadd.s32 $0x88, s3;
	s6 =	simm.s32 @!p1 $0x1082;
	[sflag:s4] =	ssyncset.s32 $0xFFFFF086  }
0x25: {  	[simem:s6], [sflag:s4] =	dma.local [hbm:s3], $0xF7A  }
0x26: {  	[smem:$0x3F9F] =	sst s1;
	(tag) =	ssettag s2;
	_ =	strace s9  }
0x27: {  	s1 =	sld [smem:$0x3FAF]  }
0x28: {  	s2 =	sld [smem:$0x3FB0]  }
0x29: {  	s4 =	sld [smem:$0x3FB2]  }
0x2a: {  	p0 =	seq.s32 s5, $0x0;
	s5 =	sld [smem:$0x3FB3]  }
0x2b: {  	s6 =	sld [smem:$0x3FB4]  }
0x2c: {  	s7 =	sld [smem:$0x3FB5]  }
0x2d: {  	s3 =	simm.s32 $0x108;
	s8 =	sld [smem:$0x3FB6]  }
0x2e: {  	s3 =	simm.s32 @!p0 $0x1082;
	s9 =	sld [smem:$0x3FB7]  }
0x2f: {  	lr =	sadd.s32 s0, s3;
	s0 =	sld [smem:$0x3FAE]  }
0x30: {  	s3 =	sld [smem:$0x3FB1]  }
0x31: {  	[smem:$0x3FBA] =	sst s10  }
0x32: {  	s10 =	sld [smem:$0x3FB8];
	_ =	sdelay $0x3  }
0x33: {  	p0 =	seq.s32 s10, $0x1;
	s10 =	sld [smem:$0x3FBA];
	_ =	sdelay $0x3  }
0x34: {  	[smem:$0x3FBA] =	sst s10  }
0x35: {  	s10 =	sld [smem:$0x3FB9];
	_ =	sdelay $0x3  }
0x36: {  	p1 =	seq.s32 s10, $0x1;
	s10 =	sld [smem:$0x3FBA];
	_ =	sdelay $0x3  }
0x37: {  	[smem:$0x3FBA] =	sst s10  }
0x38: {  	s10 =	sld [smem:$0x3FBB]  }
0x39: {  	_ = 	snop;
	(pc) =	sbr.ind lr, $3  }
0x3a: {  	_ = 	snop  }
0x3b: {  	_ = 	snop  }
0x3c: {  	p2 =	seq.s32 s10, $0x1;
	s10 =	sld [smem:$0x3FBA]  }
0x3d: {  	_ =	shalt  }
0x3e: {  	_ =	shalt  }
0x3f: {  	_ =	shalt  }
0x40: {  	_ =	shalt  }
0x41: {  	_ =	shalt  }
0x42: {  	_ =	shalt  }
0x43: {  	_ =	shalt  }
0x44: {  	_ =	shalt  }
0x45: {  	_ =	shalt  }
0x46: {  	_ =	shalt  }
0x47: {  	_ =	shalt  }
0x48: {  	_ =	shalt  }
0x49: {  	_ =	shalt  }
0x4a: {  	_ =	shalt  }
0x4b: {  	_ =	shalt  }
0x4c: {  	_ =	shalt  }
0x4d: {  	_ =	shalt  }
0x4e: {  	_ =	shalt  }
0x4f: {  	_ =	shalt  }
0x50: {  	_ =	shalt  }
0x51: {  	_ =	shalt  }
0x52: {  	_ =	shalt  }
0x53: {  	_ =	shalt  }
0x54: {  	_ =	shalt  }
0x55: {  	_ =	shalt  }
0x56: {  	_ =	shalt  }
0x57: {  	_ =	shalt  }
0x58: {  	_ =	shalt  }
0x59: {  	_ =	shalt  }
0x5a: {  	_ =	shalt  }
0x5b: {  	_ =	shalt  }
0x5c: {  	_ =	shalt  }
0x5d: {  	_ =	shalt  }
0x5e: {  	_ =	shalt  }
0x5f: {  	_ =	shalt  }
0x60: {  	_ =	shalt  }
0x61: {  	_ =	shalt  }
0x62: {  	_ =	shalt  }
0x63: {  	_ =	shalt  }
0x64: {  	_ =	shalt  }
0x65: {  	_ =	shalt  }
0x66: {  	_ =	shalt  }
0x67: {  	_ =	shalt  }
0x68: {  	_ =	shalt  }
0x69: {  	_ =	shalt  }
0x6a: {  	_ =	shalt  }
0x6b: {  	_ =	shalt  }
0x6c: {  	_ =	shalt  }
0x6d: {  	_ =	shalt  }
0x6e: {  	_ =	shalt  }
0x6f: {  	_ =	shalt  }
0x70: {  	_ =	shalt  }
0x71: {  	_ =	shalt  }
0x72: {  	_ =	shalt  }
0x73: {  	_ =	shalt  }
0x74: {  	_ =	shalt  }
0x75: {  	_ =	shalt  }
0x76: {  	_ =	shalt  }
0x77: {  	_ =	shalt  }
0x78: {  	_ =	shalt  }
0x79: {  	_ =	shalt  }
0x7a: {  	_ =	shalt  }
0x7b: {  	_ =	shalt  }
0x7c: {  	_ =	shalt  }
0x7d: {  	_ =	shalt  }
0x7e: {  	_ =	shalt  }
0x7f: {  	_ =	shalt  }
0x80: {  	_ =	shalt  }
0x81: {  	_ =	shalt  }
0x82: {  	_ =	shalt  }
0x83: {  	_ =	shalt  }
0x84: {  	_ =	shalt  }
0x85: {  	_ =	shalt  }
0x86: {  	_ =	shalt  }
0x87: {  	_ =	shalt  }
.Lfunc_end0:
.L_simem_size_0:
called_computation_lowered:
.L_overlay_start_0:
0x88: {  	s2 =	sld [smem:$0x3FD9]  }
0x89: {  	s3 =	sld [smem:$0x3FFE];
	_ =	sdelay $0x1  }
0x8a: {  	s1 =	srdreg.scid  }
0x8b: {  	s0 =	sand.u32 $0x1, s1  }
0x8c: {  	s16 =	sshll.u32 s0, $0xA;
	s2 =	sadd.s32 s3, s2  }
0x8d: {  	s2 =	sadd.s32 s2, s16  }
0x8e: {  	[smem:$0x3FC6] =	sst s2  }
0x8f: {  	_ = 	snop  }
0x90: {  	(tm) =	ssettm $0x1  }
0x91: {  	s17 =	sld [smem:$0x3FFB];
	_ =	sdelay $0x3  }
0x92: {  	_ =	strace s17  }
0x93: {  	s2 =	sld [smem:$0x3FFC];
	_ =	sdelay $0x3  }
0x94: {  	_ =	strace s2  }
0x95: {  	s2 =	sld [smem:$0x3FFD];
	_ =	sdelay $0x3  }
0x96: {  	_ =	strace s2  }
0x97: {  	_ =	strace $0x8FFFFFFF  }
0x98: {  	s18 =	sld [smem:$0x3FDB];
	_ =	sdelay $0x1  }
0x99: {  	s19 =	simm.s32 $_scs_section_size  }
0x9a: {  	s4 =	simm.s32 $_size__tile_overlayer_lowered;
	s5 =	simm.s32 $_tile_overlayer_lowered  }
0x9b: {  	s22 =	simm.s32 $0x1BFF;
	s21 =	sshll.u32 s5, $0x1;
	s2 =	sadd.s32 s19, s18  }
0x9c: {  	s6 =	simm.s32 $0x0;
	s20 =	sshll.u32 s4, $0x1;
	s4 =	sadd.s32 s21, s2  }
0x9d: {  	[timem:s6], [sflag:s22] =	dma.local [hbm:s4], s20  }
0x9e: {  	_ =	swait.ge [sflag:s22], s20  }
0x9f: {  	s3 =	ssub.s32 $0x0, s20;
	[sflag:s22] =	ssyncset.done $0x0  }
0xa0: {  	[sflag:s22] =	ssyncadd.s32 s3;
	_ =	sdelay $0x1  }
0xa1: {  	s23 =	simm.s32 $0x1B8B  }
0xa2: {  	_ =	swait.ge [sflag:s23], $0x1  }
0xa3: {  	[sflag:s23] =	ssyncset.done $0x0  }
0xa4: {  	s25 =	simm.s32 $0x1B8E;
	s24 =	sld [smem:$0x3FFE];
	[sflag:s23] =	ssyncadd.s32 $0xFFFFFFFF  }
0xa5: {  	s26 =	simm.s32 $execute0_lowered;
	[smem:$0x3FD2] =	sst s25  }
0xa6: {  	s4 =	sshll.u32 s26, $0x1;
	_ =	strace $0x80000046;
	[dreg:$0x1] =	wrdreg $0xFFFFFFFF  }
0xa7: {  	s28 =	simm.s32 $_size_execute0_lowered;
	s2 =	sadd.s32 s2, s4;
	[dreg:$0x0] =	wrdreg $0x0  }
0xa8: {  	s4 =	sshll.u32 s28, $0x1;
	[dreg:$0x2] =	wrdreg s2  }
0xa9: {  	[dreg:$0x3] =	wrdreg s4  }
0xaa: {  	[dreg:$0x4] =	wrdreg $0xC0  }
0xab: {  	_ =	task [dreg:s6], $0x5FFFF  }
0xac: {  	[dreg:$0x1] =	wrdreg $0xFFFFFFFF  }
0xad: {  	[dreg:$0x0] =	wrdreg $0x60  }
0xae: {  	[dreg:$0x2] =	wrdreg s24  }
0xaf: {  	[dreg:$0x3] =	wrdreg $0x9  }
0xb0: {  	_ =	task.clear_ibuf [dreg:s6], $0x4FFFF;
	_ =	strace $0x90000046  }
0xb1: {  	s29 =	simm.s32 $0x9;
	_ =	strace $0x80000048  }
0xb2: {  	_ =	swait.ge [sflag:s29], $0x1  }
0xb3: {  	[sflag:s29] =	ssyncadd.s32 $0xFFFFFFFF  }
0xb4: {  	_ =	strace $0x90000048  }
0xb5: {  	_ =	sfence  }
0xb6: {  	s30 =	sld [smem:$0x0];
	_ =	sdelay $0x2  }
0xb7: {  	s31 =	sshll.u32 s1, $0xD;
	s1 =	sshrl.u32 s1, $0x2  }
0xb8: {  	s3 =	sand.u32 $0x4000, s31;
	s1 =	sadd.s32 s1, s30  }
0xb9: {  	s0 =	sor.u32 s3, s0;
	s1 =	sshll.u32 s1, $0x11  }
0xba: {  	s0 =	sor.u32 s1, s0  }
0xbb: {  	s0 =	sadd.s32 $0x8F2B, s0  }
0xbc: {  	[sflag:s0] =	ssyncadd.remote.s32 $0x1  }
0xbd: {  	_ =	sfence.sel $0xFFFF  }
0xbe: {  	[dreg:$0x0] =	wrdreg $0xFFFFFFFF;
	(pc) =	sbr.abs _section_cstart, $3  }
0xbf: {  	[dreg:$0x1] =	wrdreg $0xFFFFFFFF  }
0xc0: {  	_ =	task.clear_ibuf [dreg:s6], $0x2FFFF;
	_ =	strace $0x9FFFFFFF  }
0xc1: {  	(tm) =	ssettm $0x7FFFFFFF  }
tec
execute0_lowered:
.L_overlay_start_1:
0x0: {  	(tag) =	ssettag $0x1  }
0x1: {  	s1 =	srdreg.scid  }
0x2: {  	s0 =	stileid.u32;
	s5 =	rddreg [dreg:$0x0];
	s2 =	simm.s32 $0x0  }
0x3: {  	s10 =	simm.s32 $0x1;
	s11 =	simm.s32 $0x2;
	s12 =	simm.s32 $0xC400  }
0x4: {  	s13 =	simm.s32 $0x3;
	s4 =	sand.u32 $0x1, s1;
	s3 =	sshll.u32 s0, $0x1  }
0x5: {  	s14 =	simm.s32 $0x0;
	s1 =	rddreg [dreg:$0x1];
	s6 =	sor.u32 s4, s3  }
0x6: {  	[smem:$0x7FF] =	sst s2;
	s7 =	ssub.s32 $0x2, s4;
	s3 =	smul.u32 $0x640, s6  }
0x7: {  	v2 =	vlaneseq.u32;
	_ =	strace $0x80000047;
	s6 =	smul.u32 $0x26480, s6;
	s9 =	sshrl.u32 s7, $0x1  }
0x8: {  	v0 =	vmul.u32 $0x310, v2;
	s4 =	sadd.s32 $0x1900600, s5;
	s9 =	ssub.s32 s7, s9;
	s8 =	sshrl.u32 s3, $0x3  }
0x9: {  	s8 =	sadd.s32 s8, s5;
	s5 =	sadd.s32 s4, s6;
	s6 =	sadd.s32 $0x40, s3  }
0xa: {  	v2 =	vmul.u32 $0x311, v2;
	v1 =	vadd.s32 $0x310, v0;
	s7 =	sadd.s32 $0x600, s8;
	s8 =	smax.u32 s9, $0x1;
	s9 =	simm.s32 $0x6200  }
.LBB2_1:
0xb: {  	[tilespmem:s2], [sflag:$0x1] =	stream.linear.gather [hbm4b:s5+s2], $0x6200, $0x38;
	[tilespmem:$0xCA80] =	vst v63  }
0xc: {  	s15 =	simm.s32 $0x0  }
.LBB2_2:
0xd: {  	s17 =	sshll.u32 s15, $0x6  }
0xe: {  	s16 =	sor.u32 $0x20, s17  }
0xf: {  	s18 =	sadd.s32 s3, s16  }
0x10: {  	s18 =	smul.u32 $0x62, s18;
	_ =	sdelay $0x1  }
0x11: {  	s19 =	sadd.s32 s4, s18;
	s18 =	simm.s32 $0x0  }
0x12: {  	[tilespmem:s9], [sflag:$0x2] =	stream.linear.gather [hbm4b:s19+s18], $0x6200, $0x38;
	[tilespmem:$0xCA80] =	vst v63  }
0x13: {  	s31 =	sand.u32 $0x3FFFFFC0, s17;
	_ =	swait.ge [sflag:s10], $0x6200  }
0x14: {  	s19 =	sadd.s32 $0xC400, s31;
	[sflag:s10] =	ssyncset.done $0x0  }
0x15: {  	p1 =	por $0x1, $0x1;
	v3 =	vmov s19;
	[sflag:s10] =	ssyncadd.s32 $0xFFFF9E00  }
.LBB2_3:
0x16: {  	v4 =	vmov s18  }
0x17: {  	v4 =	vmul.u32 $0x310, v4;
	_ =	sdelay $0x1  }
0x18: {  	v4 =	vbroadcast v4, $0x0;
	_ =	sdelay $0x1  }
0x19: {  	v6 =	vadd.s32 v2, v4  }
0x1a: {  	v5 =	vadd.s32 v1, v4;
	v7 =	vadd.s32 $0x1, v6  }
0x1b: {  	v4 =	vadd.s32 v0, v4;
	vm0 =	veq.s32 v7, v5  }
0x1c: {  	v7 =	vsel vm0, v4, v7  }
0x1d: {  	v8 =	vadd.s32 $0x1, v7  }
0x1e: {  	vm8 =	veq.s32 v8, v5  }
0x1f: {  	v8 =	vsel vm8, v4, v8  }
0x20: {  	v9 =	vadd.s32 $0x1, v8  }
0x21: {  	vm9 =	veq.s32 v9, v5  }
0x22: {  	v6 =	vld.idx.msk [tilespmem:v6+s2+$0x0], $0xffff;
	v9 =	vsel vm9, v4, v9  }
0x23: {  	v10 =	vadd.s32 $0x1, v9  }
0x24: {  	vm10 =	veq.s32 v10, v5  }
0x25: {  	v7 =	vld.idx.msk [tilespmem:v7+s2+$0x0], $0xffff;
	v10 =	vsel vm10, v4, v10  }
0x26: {  	v14 =	vimm.f32 $-3.000000010e+38;
	v8 =	vld.idx.msk [tilespmem:v8+s2+$0x0], $0xffff;
	v11 =	vadd.s32 $0x1, v10  }
0x27: {  	v12 =	vmin.f32 v14, v6;
	vm11 =	veq.s32 v11, v5  }
0x28: {  	v13 =	vmax.f32 v14, v12;
	v12 =	vmin.f32 v14, v12;
	v9 =	vld.idx.msk [tilespmem:v9+s2+$0x0], $0xffff;
	v11 =	vsel vm11, v4, v11  }
0x29: {  	v6 =	vmax.f32 v14, v6;
	v19 =	vmin.f32 v14, v12;
	v15 =	vadd.s32 $0x1, v11  }
0x2a: {  	v16 =	vmin.f32 v6, v7;
	v6 =	vmax.f32 v6, v7;
	vm12 =	veq.s32 v15, v5  }
0x2b: {  	v23 =	vmin.f32 v14, v19;
	v17 =	vmin.f32 v6, v8;
	v7 =	vld.idx.msk [tilespmem:v10+s2+$0x0], $0xffff;
	v10 =	vsel vm12, v4, v15  }
0x2c: {  	v6 =	vmax.f32 v6, v8;
	v15 =	vmin.f32 v13, v16;
	v18 =	vadd.s32 $0x1, v10  }
0x2d: {  	v13 =	vmax.f32 v13, v16;
	v16 =	vmin.f32 v6, v9;
	vm13 =	veq.s32 v18, v5  }
0x2e: {  	v21 =	vmax.f32 v13, v17;
	v6 =	vmax.f32 v6, v9;
	v18 =	vsel vm13, v4, v18  }
0x2f: {  	v17 =	vmin.f32 v13, v17;
	v20 =	vld.idx.msk [tilespmem:v11+s2+$0x0], $0xffff;
	v11 =	vmax.f32 v14, v12;
	v8 =	vmax.f32 v21, v16  }
0x30: {  	v16 =	vmin.f32 v21, v16;
	v9 =	vmax.f32 v11, v15;
	v11 =	vmin.f32 v11, v15  }
0x31: {  	v12 =	vmin.f32 v6, v7;
	v7 =	vmax.f32 v6, v7;
	v21 =	vmin.f32 v9, v17;
	v10 =	vld.idx.msk [tilespmem:v10+s2+$0x0], $0xffff  }
0x32: {  	v22 =	vmax.f32 v8, v12;
	v8 =	vmin.f32 v8, v12;
	v12 =	vmax.f32 v9, v17  }
0x33: {  	v17 =	vmax.f32 v14, v23;
	v13 =	vmax.f32 v12, v16;
	v24 =	vld.idx.msk [tilespmem:v18+s2+$0x0], $0xffff;
	v18 =	vadd.s32 $0x1, v18  }
0x34: {  	v15 =	vmin.f32 v7, v20;
	v7 =	vmax.f32 v7, v20;
	vm14 =	veq.s32 v18, v5  }
0x35: {  	v9 =	vmax.f32 v13, v8;
	v6 =	vmin.f32 v22, v15;
	v20 =	vsel vm14, v4, v18  }
0x36: {  	v27 =	vmax.f32 v22, v15;
	v25 =	vmin.f32 v7, v10;
	v18 =	vmax.f32 v14, v19  }
0x37: {  	v7 =	vmax.f32 v7, v10;
	v26 =	vmax.f32 v18, v11;
	v28 =	vadd.s32 $0x1, v20  }
0x38: {  	v22 =	vmax.f32 v27, v25;
	vm15 =	veq.s32 v28, v5;
	v19 =	vmax.f32 v26, v21  }
0x39: {  	v21 =	vmin.f32 v26, v21;
	v10 =	vmax.f32 v7, v24;
	v23 =	vmin.f32 v7, v24  }
0x3a: {  	p0 =	por p1, p1;
	s19 =	simm.s32 $0x8;
	v7 =	vmin.f32 v27, v25;
	v15 =	vmax.f32 v22, v23;
	v14 =	vld.idx.msk [tilespmem:v20+s2+$0x0], $0xffff;
	v20 =	vsel vm15, v4, v28  }
.LBB2_4:
0x3b: {  	s19 =	sadd.s32 $0x8, s19;
	v24 =	vadd.s32 $0x1, v20;
	v11 =	vmin.f32 v18, v11;
	v12 =	vmin.f32 v12, v16  }
0x3c: {  	v18 =	vmin.f32 v22, v23;
	p1 =	slt.u32 s19, $0x308;
	vm0 =	veq.s32 v24, v5;
	v16 =	vmax.f32 v19, v12  }
0x3d: {  	v8 =	vmin.f32 v13, v8;
	v11 =	vmax.f32 v17, v11;
	v22 =	vsel vm0, v4, v24  }
0x3e: {  	v12 =	vmin.f32 v19, v12;
	v17 =	vmin.f32 v16, v8;
	v13 =	vadd.s32 $0x1, v22  }
0x3f: {  	v11 =	vmax.f32 v11, v21;
	v19 =	vld.idx.msk [tilespmem:v20+s2+$0x0], $0xffff;
	vm0 =	veq.s32 v13, v5;
	v20 =	vmin.f32 v9, v6  }
0x40: {  	v11 =	vmax.f32 v11, v12;
	v21 =	vmin.f32 v10, v14;
	v13 =	vsel vm0, v4, v13  }
0x41: {  	v8 =	vmax.f32 v16, v8;
	v12 =	vmax.f32 v15, v21;
	v23 =	vadd.s32 $0x1, v13  }
0x42: {  	v11 =	vmax.f32 v11, v17;
	v15 =	vmin.f32 v15, v21;
	v16 =	vld.idx.msk [tilespmem:v22+s2+$0x0], $0xffff;
	vm0 =	veq.s32 v23, v5  }
0x43: {  	v10 =	vmax.f32 v10, v14;
	v17 =	vmin.f32 v8, v20;
	v14 =	vsel vm0, v4, v23  }
0x44: {  	v6 =	vmax.f32 v9, v6;
	v9 =	vmax.f32 v11, v17;
	v21 =	vadd.s32 $0x1, v14  }
0x45: {  	v17 =	vmin.f32 v6, v7;
	v11 =	vmin.f32 v10, v19;
	v13 =	vld.idx.msk [tilespmem:v13+s2+$0x0], $0xffff;
	vm0 =	veq.s32 v21, v5  }
0x46: {  	v8 =	vmax.f32 v8, v20;
	v22 =	vmin.f32 v12, v11;
	v21 =	vsel vm0, v4, v21  }
0x47: {  	v20 =	vmax.f32 v8, v17;
	v10 =	vmax.f32 v10, v19;
	v19 =	vadd.s32 $0x1, v21  }
0x48: {  	v6 =	vmax.f32 v6, v7;
	v23 =	vmin.f32 v10, v16;
	v14 =	vld.idx.msk [tilespmem:v14+s2+$0x0], $0xffff;
	vm0 =	veq.s32 v19, v5  }
0x49: {  	v7 =	vmax.f32 v12, v11;
	v12 =	vmax.f32 v6, v18;
	v11 =	vsel vm0, v4, v19  }
0x4a: {  	v10 =	vmax.f32 v10, v16;
	v19 =	vmin.f32 v12, v15;
	v16 =	vadd.s32 $0x1, v11  }
0x4b: {  	v18 =	vmin.f32 v6, v18;
	v24 =	vmin.f32 v10, v13;
	v21 =	vld.idx.msk [tilespmem:v21+s2+$0x0], $0xffff;
	vm0 =	veq.s32 v16, v5  }
0x4c: {  	v6 =	vmax.f32 v12, v15;
	v25 =	vmax.f32 v20, v18;
	v15 =	vsel vm0, v4, v16  }
0x4d: {  	v10 =	vmax.f32 v10, v13;
	v13 =	vmin.f32 v8, v17;
	v16 =	vmax.f32 v7, v23  }
0x4e: {  	v17 =	vmax.f32 v6, v22;
	v8 =	vmax.f32 v16, v24;
	v12 =	vmin.f32 v10, v14;
	v26 =	vld.idx.msk [tilespmem:v11+s2+$0x0], $0xffff  }
0x4f: {  	v7 =	vmin.f32 v7, v23;
	v23 =	vmax.f32 v8, v12;
	v8 =	vmin.f32 v8, v12  }
0x50: {  	v27 =	vmin.f32 v25, v19;
	v10 =	vmax.f32 v10, v14;
	v11 =	vmin.f32 v6, v22  }
0x51: {  	v12 =	vmax.f32 v17, v7;
	v14 =	vmin.f32 v10, v21;
	v28 =	vld.idx.msk [tilespmem:v15+s2+$0x0], $0xffff;
	v15 =	vadd.s32 $0x1, v15  }
0x52: {  	v20 =	vmin.f32 v20, v18;
	v6 =	vmin.f32 v23, v14;
	vm0 =	veq.s32 v15, v5  }
0x53: {  	v9 =	vmax.f32 v9, v13;
	v16 =	vmin.f32 v16, v24;
	v10 =	vmax.f32 v10, v21  }
0x54: {  	v13 =	vmax.f32 v12, v16;
	v24 =	vmin.f32 v10, v26;
	v21 =	vsel vm0, v4, v15  }
0x55: {  	v18 =	vmax.f32 v25, v19;
	v9 =	vmax.f32 v9, v20;
	v7 =	vmin.f32 v17, v7  }
.Ltmp0:
0x56: {  	v17 =	vmax.f32 v9, v27;
	v25 =	vmax.f32 v18, v11;
	v15 =	vmax.f32 v10, v26;
	(pc) =	sbr.rel @p1 .LBB2_4-.Ltmp0, $4  }
0x57: {  	v9 =	vmax.f32 v13, v8;
	v26 =	vmax.f32 v23, v14;
	v10 =	vmax.f32 v15, v28  }
0x58: {  	v20 =	vadd.s32 $0x1, v21;
	v22 =	vmax.f32 v26, v24;
	v23 =	vmin.f32 v15, v28  }
0x59: {  	v19 =	vmax.f32 v25, v7;
	vm0 =	veq.s32 v20, v5;
	v15 =	vmax.f32 v22, v23  }
0x5a: {  	v20 =	vsel vm0, v4, v20;
	v14 =	vld.idx.msk [tilespmem:v21+s2+$0x0], $0xffff;
	v21 =	vmin.f32 v25, v7;
	v7 =	vmin.f32 v26, v24  }
0x5b: {  	v24 =	vadd.s32 $0x1, v20;
	v12 =	vmin.f32 v12, v16  }
0x5c: {  	v11 =	vmin.f32 v18, v11;
	v44 =	vmin.f32 v22, v23;
	v8 =	vmin.f32 v13, v8  }
0x5d: {  	v49 =	vmin.f32 v9, v6;
	v59 =	vmax.f32 v9, v6;
	vm0 =	veq.s32 v24, v5  }
0x5e: {  	v16 =	vmax.f32 v19, v12;
	v11 =	vmax.f32 v17, v11;
	v12 =	vmin.f32 v19, v12  }
0x5f: {  	v62 =	vmin.f32 v59, v7;
	v6 =	vmax.f32 v59, v7;
	v45 =	vsel vm0, v4, v24  }
0x60: {  	v47 =	vmin.f32 v16, v8;
	v11 =	vmax.f32 v11, v21;
	v8 =	vmax.f32 v16, v8  }
0x61: {  	v32 =	vmax.f32 v6, v44;
	v6 =	vmin.f32 v6, v44;
	v46 =	vadd.s32 $0x1, v45  }
0x62: {  	v48 =	vld.idx.msk [tilespmem:v20+s2+$0x0], $0xffff;
	v11 =	vmax.f32 v11, v12;
	v57 =	vmin.f32 v8, v49;
	v8 =	vmax.f32 v8, v49  }
0x63: {  	vm11 =	veq.s32 v46, v5;
	v50 =	vmin.f32 v10, v14;
	v11 =	vmax.f32 v11, v47  }
0x64: {  	v55 =	vmax.f32 v10, v14;
	v20 =	vmax.f32 v8, v62;
	v13 =	vsel vm11, v4, v46  }
0x65: {  	v8 =	vmin.f32 v8, v62;
	v51 =	vmax.f32 v15, v50;
	v52 =	vadd.s32 $0x1, v13  }
0x66: {  	v53 =	vmin.f32 v15, v50;
	v60 =	vmax.f32 v11, v57;
	vm12 =	veq.s32 v52, v5  }
0x67: {  	v61 =	vmin.f32 v55, v48;
	v10 =	vmax.f32 v55, v48;
	v56 =	vsel vm12, v4, v52  }
0x68: {  	v36 =	vmax.f32 v20, v6;
	v6 =	vmin.f32 v20, v6;
	v58 =	vadd.s32 $0x1, v56  }
0x69: {  	v63 =	vmin.f32 v51, v61;
	v30 =	vmax.f32 v51, v61;
	vm13 =	veq.s32 v58, v5  }
0x6a: {  	v34 =	vmin.f32 v32, v53;
	v12 =	vmax.f32 v32, v53;
	v54 =	vld.idx.msk [tilespmem:v45+s2+$0x0], $0xffff;
	v21 =	vsel vm13, v4, v58  }
0x6b: {  	v8 =	vmax.f32 v60, v8;
	v40 =	vmax.f32 v12, v63;
	v28 =	vadd.s32 $0x1, v21  }
0x6c: {  	v42 =	vmin.f32 v36, v34;
	v12 =	vmin.f32 v12, v63;
	vm14 =	veq.s32 v28, v5  }
0x6d: {  	v15 =	vmax.f32 v36, v34;
	v6 =	vmax.f32 v8, v6;
	v13 =	vld.idx.msk [tilespmem:v13+s2+$0x0], $0xffff;
	v31 =	vsel vm14, v4, v28  }
0x6e: {  	v6 =	vmax.f32 v6, v42;
	v47 =	vmax.f32 v15, v12;
	v14 =	vld.idx.msk [tilespmem:v56+s2+$0x0], $0xffff;
	v33 =	vadd.s32 $0x1, v31  }
0x6f: {  	v29 =	vmin.f32 v10, v54;
	v10 =	vmax.f32 v10, v54;
	vm15 =	veq.s32 v33, v5  }
0x70: {  	v54 =	vmin.f32 v15, v12;
	v7 =	vmin.f32 v30, v29;
	v4 =	vsel vm15, v4, v33  }
0x71: {  	v37 =	vmax.f32 v30, v29;
	v6 =	vmax.f32 v6, v54;
	v43 =	vmax.f32 v40, v7;
	v5 =	vld.idx.msk [tilespmem:v21+s2+$0x0], $0xffff  }
0x72: {  	v7 =	vmin.f32 v40, v7;
	v35 =	vmin.f32 v10, v13;
	v10 =	vmax.f32 v10, v13;
	v11 =	vld.idx.msk [tilespmem:v31+s2+$0x0], $0xffff  }
0x73: {  	v38 =	vmax.f32 v37, v35;
	v16 =	vmin.f32 v37, v35;
	v39 =	vmin.f32 v10, v14  }
0x74: {  	v46 =	vmax.f32 v43, v16;
	v55 =	vmin.f32 v43, v16;
	v13 =	vmin.f32 v38, v39  }
0x75: {  	v10 =	vmax.f32 v10, v14;
	v41 =	vmax.f32 v38, v39;
	v48 =	vmax.f32 v46, v13;
	v4 =	vld.idx.msk [tilespmem:v4+s2+$0x0], $0xffff  }
0x76: {  	v9 =	vmin.f32 v46, v13;
	v44 =	vmin.f32 v10, v5;
	v5 =	vmax.f32 v10, v5  }
0x77: {  	v45 =	vmin.f32 v41, v44;
	v49 =	vmax.f32 v41, v44;
	v10 =	vmin.f32 v5, v11  }
0x78: {  	v57 =	vmin.f32 v48, v45;
	v59 =	vmax.f32 v48, v45;
	v53 =	vmin.f32 v49, v10  }
0x79: {  	v5 =	vmax.f32 v5, v11;
	v51 =	vmax.f32 v49, v10;
	v11 =	vmax.f32 v59, v53  }
0x7a: {  	v50 =	vmax.f32 v5, v4;
	v4 =	vmin.f32 v5, v4;
	v5 =	vmax.f32 v47, v7  }
0x7b: {  	v7 =	vmin.f32 v47, v7;
	v52 =	vmax.f32 v51, v4;
	v14 =	vmax.f32 v5, v55  }
0x7c: {  	v4 =	vmin.f32 v51, v4;
	v5 =	vmin.f32 v5, v55;
	v6 =	vmax.f32 v6, v7  }
0x7d: {  	v7 =	vmin.f32 v59, v53;
	v56 =	vmin.f32 v14, v9;
	v5 =	vmax.f32 v6, v5  }
0x7e: {  	v58 =	vmax.f32 v14, v9;
	v60 =	vadd.f32 v52, v50;
	v61 =	vmax.f32 v11, v4  }
0x7f: {  	v4 =	vmin.f32 v11, v4;
	v5 =	vmax.f32 v5, v56;
	v6 =	vmax.f32 v58, v57  }
0x80: {  	v9 =	vmin.f32 v58, v57;
	v10 =	vmax.f32 v6, v7;
	v8 =	vadd.f32 v61, v60  }
0x81: {  	v5 =	vmax.f32 v5, v9;
	v6 =	vmin.f32 v6, v7;
	v62 =	vmax.f32 v10, v4  }
.Ltmp1:
0x82: {  	v4 =	vmin.f32 v10, v4;
	v5 =	vmax.f32 v5, v6;
	v63 =	vadd.f32 v62, v8;
	(pc) =	sbr.rel @p0 .LBB2_3-.Ltmp1, $3  }
0x83: {  	v4 =	vmax.f32 v5, v4  }
0x84: {  	v4 =	vadd.f32 v4, v63;
	_ =	sdelay $0x1  }
0x85: {  	p1 =	por $0x0, $0x0;
	[tilespmem:v3+s18+$0x0 ss:$0x1] =	vst.idx.msk $0xffff, v4;
	s18 =	simm.s32 $0x10  }
0x86: {  	p0 =	seq.s32 s15, $0x18  }
0x87: {  	s17 =	sadd.s32 @!p0 s17, s6  }
0x88: {  	s17 =	smul.u32 @!p0 $0x62, s17;
	_ =	sdelay $0x1  }
0x89: {  	s18 =	simm.s32 @!p0 $0x0;
	s17 =	sadd.s32 @!p0 s4, s17  }
0x8a: {  	[tilespmem:s18], [sflag:$0x1] =	stream.linear.gather @!p0 [hbm4b:s17+s18], $0x6200, $0x38;
	[tilespmem:$0xCA80] =	vst v63  }
0x8b: {  	_ =	swait.ge [sflag:s11], $0x6200  }
0x8c: {  	s31 =	sadd.s32 $0xC400, s16;
	[sflag:s11] =	ssyncset.done $0x0  }
0x8d: {  	s16 =	simm.s32 $0x0;
	p1 =	por $0x1, $0x1;
	v3 =	vmov s31;
	[sflag:s11] =	ssyncadd.s32 $0xFFFF9E00  }
.LBB2_7:
0x8e: {  	v4 =	vmov s16  }
0x8f: {  	v4 =	vmul.u32 $0x310, v4;
	_ =	sdelay $0x1  }
0x90: {  	v4 =	vbroadcast v4, $0x0;
	_ =	sdelay $0x1  }
0x91: {  	v6 =	vadd.s32 v2, v4  }
0x92: {  	v5 =	vadd.s32 v1, v4;
	v7 =	vadd.s32 $0x1, v6  }
0x93: {  	v4 =	vadd.s32 v0, v4;
	vm0 =	veq.s32 v7, v5  }
0x94: {  	v7 =	vsel vm0, v4, v7  }
0x95: {  	v8 =	vadd.s32 $0x1, v7  }
0x96: {  	vm8 =	veq.s32 v8, v5  }
0x97: {  	v8 =	vsel vm8, v4, v8  }
0x98: {  	v9 =	vadd.s32 $0x1, v8  }
0x99: {  	vm9 =	veq.s32 v9, v5  }
0x9a: {  	v6 =	vld.idx.msk [tilespmem:v6+s9+$0x0], $0xffff;
	v9 =	vsel vm9, v4, v9  }
0x9b: {  	v10 =	vadd.s32 $0x1, v9  }
0x9c: {  	vm10 =	veq.s32 v10, v5  }
0x9d: {  	v7 =	vld.idx.msk [tilespmem:v7+s9+$0x0], $0xffff;
	v10 =	vsel vm10, v4, v10  }
0x9e: {  	v14 =	vimm.f32 $-3.000000010e+38;
	v8 =	vld.idx.msk [tilespmem:v8+s9+$0x0], $0xffff;
	v11 =	vadd.s32 $0x1, v10  }
0x9f: {  	v12 =	vmin.f32 v14, v6;
	vm11 =	veq.s32 v11, v5  }
0xa0: {  	v13 =	vmax.f32 v14, v12;
	v12 =	vmin.f32 v14, v12;
	v9 =	vld.idx.msk [tilespmem:v9+s9+$0x0], $0xffff;
	v11 =	vsel vm11, v4, v11  }
0xa1: {  	v6 =	vmax.f32 v14, v6;
	v19 =	vmin.f32 v14, v12;
	v15 =	vadd.s32 $0x1, v11  }
0xa2: {  	v16 =	vmin.f32 v6, v7;
	v6 =	vmax.f32 v6, v7;
	vm12 =	veq.s32 v15, v5  }
0xa3: {  	v23 =	vmin.f32 v14, v19;
	v17 =	vmin.f32 v6, v8;
	v7 =	vld.idx.msk [tilespmem:v10+s9+$0x0], $0xffff;
	v10 =	vsel vm12, v4, v15  }
0xa4: {  	v6 =	vmax.f32 v6, v8;
	v15 =	vmin.f32 v13, v16;
	v18 =	vadd.s32 $0x1, v10  }
0xa5: {  	v13 =	vmax.f32 v13, v16;
	v16 =	vmin.f32 v6, v9;
	vm13 =	veq.s32 v18, v5  }
0xa6: {  	v21 =	vmax.f32 v13, v17;
	v6 =	vmax.f32 v6, v9;
	v18 =	vsel vm13, v4, v18  }
0xa7: {  	v17 =	vmin.f32 v13, v17;
	v20 =	vld.idx.msk [tilespmem:v11+s9+$0x0], $0xffff;
	v11 =	vmax.f32 v14, v12;
	v8 =	vmax.f32 v21, v16  }
0xa8: {  	v16 =	vmin.f32 v21, v16;
	v9 =	vmax.f32 v11, v15;
	v11 =	vmin.f32 v11, v15  }
0xa9: {  	v12 =	vmin.f32 v6, v7;
	v7 =	vmax.f32 v6, v7;
	v21 =	vmin.f32 v9, v17;
	v10 =	vld.idx.msk [tilespmem:v10+s9+$0x0], $0xffff  }
0xaa: {  	v22 =	vmax.f32 v8, v12;
	v8 =	vmin.f32 v8, v12;
	v12 =	vmax.f32 v9, v17  }
0xab: {  	v17 =	vmax.f32 v14, v23;
	v13 =	vmax.f32 v12, v16;
	v24 =	vld.idx.msk [tilespmem:v18+s9+$0x0], $0xffff;
	v18 =	vadd.s32 $0x1, v18  }
0xac: {  	v15 =	vmin.f32 v7, v20;
	v7 =	vmax.f32 v7, v20;
	vm14 =	veq.s32 v18, v5  }
0xad: {  	v9 =	vmax.f32 v13, v8;
	v6 =	vmin.f32 v22, v15;
	v20 =	vsel vm14, v4, v18  }
0xae: {  	v27 =	vmax.f32 v22, v15;
	v25 =	vmin.f32 v7, v10;
	v18 =	vmax.f32 v14, v19  }
0xaf: {  	v7 =	vmax.f32 v7, v10;
	v26 =	vmax.f32 v18, v11;
	v28 =	vadd.s32 $0x1, v20  }
0xb0: {  	v22 =	vmax.f32 v27, v25;
	vm15 =	veq.s32 v28, v5;
	v19 =	vmax.f32 v26, v21  }
0xb1: {  	v21 =	vmin.f32 v26, v21;
	v10 =	vmax.f32 v7, v24;
	v23 =	vmin.f32 v7, v24  }
0xb2: {  	p0 =	por p1, p1;
	s17 =	simm.s32 $0x8;
	v7 =	vmin.f32 v27, v25;
	v15 =	vmax.f32 v22, v23;
	v14 =	vld.idx.msk [tilespmem:v20+s9+$0x0], $0xffff;
	v20 =	vsel vm15, v4, v28  }
.LBB2_8:
0xb3: {  	s17 =	sadd.s32 $0x8, s17;
	v24 =	vadd.s32 $0x1, v20;
	v11 =	vmin.f32 v18, v11;
	v12 =	vmin.f32 v12, v16  }
0xb4: {  	v18 =	vmin.f32 v22, v23;
	p1 =	slt.u32 s17, $0x308;
	vm0 =	veq.s32 v24, v5;
	v16 =	vmax.f32 v19, v12  }
0xb5: {  	v8 =	vmin.f32 v13, v8;
	v11 =	vmax.f32 v17, v11;
	v22 =	vsel vm0, v4, v24  }
0xb6: {  	v12 =	vmin.f32 v19, v12;
	v17 =	vmin.f32 v16, v8;
	v13 =	vadd.s32 $0x1, v22  }
0xb7: {  	v11 =	vmax.f32 v11, v21;
	v19 =	vld.idx.msk [tilespmem:v20+s9+$0x0], $0xffff;
	vm0 =	veq.s32 v13, v5;
	v20 =	vmin.f32 v9, v6  }
0xb8: {  	v11 =	vmax.f32 v11, v12;
	v21 =	vmin.f32 v10, v14;
	v13 =	vsel vm0, v4, v13  }
0xb9: {  	v8 =	vmax.f32 v16, v8;
	v12 =	vmax.f32 v15, v21;
	v23 =	vadd.s32 $0x1, v13  }
0xba: {  	v11 =	vmax.f32 v11, v17;
	v15 =	vmin.f32 v15, v21;
	v16 =	vld.idx.msk [tilespmem:v22+s9+$0x0], $0xffff;
	vm0 =	veq.s32 v23, v5  }
0xbb: {  	v10 =	vmax.f32 v10, v14;
	v17 =	vmin.f32 v8, v20;
	v14 =	vsel vm0, v4, v23  }
0xbc: {  	v6 =	vmax.f32 v9, v6;
	v9 =	vmax.f32 v11, v17;
	v21 =	vadd.s32 $0x1, v14  }
0xbd: {  	v17 =	vmin.f32 v6, v7;
	v11 =	vmin.f32 v10, v19;
	v13 =	vld.idx.msk [tilespmem:v13+s9+$0x0], $0xffff;
	vm0 =	veq.s32 v21, v5  }
0xbe: {  	v8 =	vmax.f32 v8, v20;
	v22 =	vmin.f32 v12, v11;
	v21 =	vsel vm0, v4, v21  }
0xbf: {  	v20 =	vmax.f32 v8, v17;
	v10 =	vmax.f32 v10, v19;
	v19 =	vadd.s32 $0x1, v21  }
0xc0: {  	v6 =	vmax.f32 v6, v7;
	v23 =	vmin.f32 v10, v16;
	v14 =	vld.idx.msk [tilespmem:v14+s9+$0x0], $0xffff;
	vm0 =	veq.s32 v19, v5  }
0xc1: {  	v7 =	vmax.f32 v12, v11;
	v12 =	vmax.f32 v6, v18;
	v11 =	vsel vm0, v4, v19  }
0xc2: {  	v10 =	vmax.f32 v10, v16;
	v19 =	vmin.f32 v12, v15;
	v16 =	vadd.s32 $0x1, v11  }
0xc3: {  	v18 =	vmin.f32 v6, v18;
	v24 =	vmin.f32 v10, v13;
	v21 =	vld.idx.msk [tilespmem:v21+s9+$0x0], $0xffff;
	vm0 =	veq.s32 v16, v5  }
0xc4: {  	v6 =	vmax.f32 v12, v15;
	v25 =	vmax.f32 v20, v18;
	v15 =	vsel vm0, v4, v16  }
0xc5: {  	v10 =	vmax.f32 v10, v13;
	v13 =	vmin.f32 v8, v17;
	v16 =	vmax.f32 v7, v23  }
0xc6: {  	v17 =	vmax.f32 v6, v22;
	v8 =	vmax.f32 v16, v24;
	v12 =	vmin.f32 v10, v14;
	v26 =	vld.idx.msk [tilespmem:v11+s9+$0x0], $0xffff  }
0xc7: {  	v7 =	vmin.f32 v7, v23;
	v23 =	vmax.f32 v8, v12;
	v8 =	vmin.f32 v8, v12  }
0xc8: {  	v27 =	vmin.f32 v25, v19;
	v10 =	vmax.f32 v10, v14;
	v11 =	vmin.f32 v6, v22  }
0xc9: {  	v12 =	vmax.f32 v17, v7;
	v14 =	vmin.f32 v10, v21;
	v28 =	vld.idx.msk [tilespmem:v15+s9+$0x0], $0xffff;
	v15 =	vadd.s32 $0x1, v15  }
0xca: {  	v20 =	vmin.f32 v20, v18;
	v6 =	vmin.f32 v23, v14;
	vm0 =	veq.s32 v15, v5  }
0xcb: {  	v9 =	vmax.f32 v9, v13;
	v16 =	vmin.f32 v16, v24;
	v10 =	vmax.f32 v10, v21  }
0xcc: {  	v13 =	vmax.f32 v12, v16;
	v24 =	vmin.f32 v10, v26;
	v21 =	vsel vm0, v4, v15  }
0xcd: {  	v18 =	vmax.f32 v25, v19;
	v9 =	vmax.f32 v9, v20;
	v7 =	vmin.f32 v17, v7  }
.Ltmp2:
0xce: {  	v17 =	vmax.f32 v9, v27;
	v25 =	vmax.f32 v18, v11;
	v15 =	vmax.f32 v10, v26;
	(pc) =	sbr.rel @p1 .LBB2_8-.Ltmp2, $4  }
0xcf: {  	v9 =	vmax.f32 v13, v8;
	v26 =	vmax.f32 v23, v14;
	v10 =	vmax.f32 v15, v28  }
0xd0: {  	v20 =	vadd.s32 $0x1, v21;
	v22 =	vmax.f32 v26, v24;
	v23 =	vmin.f32 v15, v28  }
0xd1: {  	v19 =	vmax.f32 v25, v7;
	vm0 =	veq.s32 v20, v5;
	v15 =	vmax.f32 v22, v23  }
0xd2: {  	v20 =	vsel vm0, v4, v20;
	v14 =	vld.idx.msk [tilespmem:v21+s9+$0x0], $0xffff;
	v21 =	vmin.f32 v25, v7;
	v7 =	vmin.f32 v26, v24  }
0xd3: {  	v24 =	vadd.s32 $0x1, v20;
	v12 =	vmin.f32 v12, v16  }
0xd4: {  	v11 =	vmin.f32 v18, v11;
	v44 =	vmin.f32 v22, v23;
	v8 =	vmin.f32 v13, v8  }
0xd5: {  	v49 =	vmin.f32 v9, v6;
	v59 =	vmax.f32 v9, v6;
	vm0 =	veq.s32 v24, v5  }
0xd6: {  	v16 =	vmax.f32 v19, v12;
	v11 =	vmax.f32 v17, v11;
	v12 =	vmin.f32 v19, v12  }
0xd7: {  	v62 =	vmin.f32 v59, v7;
	v6 =	vmax.f32 v59, v7;
	v45 =	vsel vm0, v4, v24  }
0xd8: {  	v47 =	vmin.f32 v16, v8;
	v11 =	vmax.f32 v11, v21;
	v8 =	vmax.f32 v16, v8  }
0xd9: {  	v32 =	vmax.f32 v6, v44;
	v6 =	vmin.f32 v6, v44;
	v46 =	vadd.s32 $0x1, v45  }
0xda: {  	v48 =	vld.idx.msk [tilespmem:v20+s9+$0x0], $0xffff;
	v11 =	vmax.f32 v11, v12;
	v57 =	vmin.f32 v8, v49;
	v8 =	vmax.f32 v8, v49  }
0xdb: {  	vm11 =	veq.s32 v46, v5;
	v50 =	vmin.f32 v10, v14;
	v11 =	vmax.f32 v11, v47  }
0xdc: {  	v55 =	vmax.f32 v10, v14;
	v20 =	vmax.f32 v8, v62;
	v13 =	vsel vm11, v4, v46  }
0xdd: {  	v8 =	vmin.f32 v8, v62;
	v51 =	vmax.f32 v15, v50;
	v52 =	vadd.s32 $0x1, v13  }
0xde: {  	v53 =	vmin.f32 v15, v50;
	v60 =	vmax.f32 v11, v57;
	vm12 =	veq.s32 v52, v5  }
0xdf: {  	v61 =	vmin.f32 v55, v48;
	v10 =	vmax.f32 v55, v48;
	v56 =	vsel vm12, v4, v52  }
0xe0: {  	v36 =	vmax.f32 v20, v6;
	v6 =	vmin.f32 v20, v6;
	v58 =	vadd.s32 $0x1, v56  }
0xe1: {  	v63 =	vmin.f32 v51, v61;
	v30 =	vmax.f32 v51, v61;
	vm13 =	veq.s32 v58, v5  }
0xe2: {  	v34 =	vmin.f32 v32, v53;
	v12 =	vmax.f32 v32, v53;
	v54 =	vld.idx.msk [tilespmem:v45+s9+$0x0], $0xffff;
	v21 =	vsel vm13, v4, v58  }
0xe3: {  	v8 =	vmax.f32 v60, v8;
	v40 =	vmax.f32 v12, v63;
	v28 =	vadd.s32 $0x1, v21  }
0xe4: {  	v42 =	vmin.f32 v36, v34;
	v12 =	vmin.f32 v12, v63;
	vm14 =	veq.s32 v28, v5  }
0xe5: {  	v15 =	vmax.f32 v36, v34;
	v6 =	vmax.f32 v8, v6;
	v13 =	vld.idx.msk [tilespmem:v13+s9+$0x0], $0xffff;
	v31 =	vsel vm14, v4, v28  }
0xe6: {  	v6 =	vmax.f32 v6, v42;
	v47 =	vmax.f32 v15, v12;
	v14 =	vld.idx.msk [tilespmem:v56+s9+$0x0], $0xffff;
	v33 =	vadd.s32 $0x1, v31  }
0xe7: {  	v29 =	vmin.f32 v10, v54;
	v10 =	vmax.f32 v10, v54;
	vm15 =	veq.s32 v33, v5  }
0xe8: {  	v54 =	vmin.f32 v15, v12;
	v7 =	vmin.f32 v30, v29;
	v4 =	vsel vm15, v4, v33  }
0xe9: {  	v37 =	vmax.f32 v30, v29;
	v6 =	vmax.f32 v6, v54;
	v43 =	vmax.f32 v40, v7;
	v5 =	vld.idx.msk [tilespmem:v21+s9+$0x0], $0xffff  }
0xea: {  	v7 =	vmin.f32 v40, v7;
	v35 =	vmin.f32 v10, v13;
	v10 =	vmax.f32 v10, v13;
	v11 =	vld.idx.msk [tilespmem:v31+s9+$0x0], $0xffff  }
0xeb: {  	v38 =	vmax.f32 v37, v35;
	v16 =	vmin.f32 v37, v35;
	v39 =	vmin.f32 v10, v14  }
0xec: {  	v46 =	vmax.f32 v43, v16;
	v55 =	vmin.f32 v43, v16;
	v13 =	vmin.f32 v38, v39  }
0xed: {  	v10 =	vmax.f32 v10, v14;
	v41 =	vmax.f32 v38, v39;
	v48 =	vmax.f32 v46, v13;
	v4 =	vld.idx.msk [tilespmem:v4+s9+$0x0], $0xffff  }
0xee: {  	v9 =	vmin.f32 v46, v13;
	v44 =	vmin.f32 v10, v5;
	v5 =	vmax.f32 v10, v5  }
0xef: {  	v45 =	vmin.f32 v41, v44;
	v49 =	vmax.f32 v41, v44;
	v10 =	vmin.f32 v5, v11  }
0xf0: {  	v57 =	vmin.f32 v48, v45;
	v59 =	vmax.f32 v48, v45;
	v53 =	vmin.f32 v49, v10  }
0xf1: {  	v5 =	vmax.f32 v5, v11;
	v51 =	vmax.f32 v49, v10;
	v11 =	vmax.f32 v59, v53  }
0xf2: {  	v50 =	vmax.f32 v5, v4;
	v4 =	vmin.f32 v5, v4;
	v5 =	vmax.f32 v47, v7  }
0xf3: {  	v7 =	vmin.f32 v47, v7;
	v52 =	vmax.f32 v51, v4;
	v14 =	vmax.f32 v5, v55  }
0xf4: {  	v4 =	vmin.f32 v51, v4;
	v5 =	vmin.f32 v5, v55;
	v6 =	vmax.f32 v6, v7  }
0xf5: {  	v7 =	vmin.f32 v59, v53;
	v56 =	vmin.f32 v14, v9;
	v5 =	vmax.f32 v6, v5  }
0xf6: {  	v58 =	vmax.f32 v14, v9;
	v60 =	vadd.f32 v52, v50;
	v61 =	vmax.f32 v11, v4  }
0xf7: {  	v4 =	vmin.f32 v11, v4;
	v5 =	vmax.f32 v5, v56;
	v6 =	vmax.f32 v58, v57  }
0xf8: {  	v9 =	vmin.f32 v58, v57;
	v10 =	vmax.f32 v6, v7;
	v8 =	vadd.f32 v61, v60  }
0xf9: {  	v5 =	vmax.f32 v5, v9;
	v6 =	vmin.f32 v6, v7;
	v62 =	vmax.f32 v10, v4  }
.Ltmp3:
0xfa: {  	v4 =	vmin.f32 v10, v4;
	v5 =	vmax.f32 v5, v6;
	v63 =	vadd.f32 v62, v8;
	(pc) =	sbr.rel @p0 .LBB2_7-.Ltmp3, $3  }
0xfb: {  	v4 =	vmax.f32 v5, v4  }
0xfc: {  	v4 =	vadd.f32 v4, v63;
	_ =	sdelay $0x1  }
0xfd: {  	p1 =	por $0x0, $0x0;
	[tilespmem:v3+s16+$0x0 ss:$0x1] =	vst.idx.msk $0xffff, v4;
	s16 =	simm.s32 $0x10  }
0xfe: {  	s15 =	sadd.s32 $0x1, s15  }
0xff: {  	p0 =	sne.s32 s15, $0x19  }
.Ltmp4:
0x100: {  	_ = 	snop;
	(pc) =	sbr.rel @p0 .LBB2_2-.Ltmp4, $1  }
0x101: {  	_ =	sdelay $0x3  }
0x102: {  	s14 =	sadd.s32 $0x1, s14  }
0x103: {  	p0 =	sne.s32 s14, s8  }
.Ltmp5:
0x104: {  	_ = 	snop;
	(pc) =	sbr.rel @p0 .LBB2_1-.Ltmp5, $4  }
0x105: {  	[hbm4b:s7+s2] =	stream.linear.scatter [tilespmem:s12], [sflag:$0x3], $0x640, $0x38;
	[tilespmem:$0xCA80] =	vst v63  }
0x106: {  	_ =	swait.ge [sflag:s13], $0x640  }
0x107: {  	[sflag:s13] =	ssyncset.done $0x0  }
0x108: {  	[sflag:s13] =	ssyncadd.s32 $0xFFFFF9C0  }
0x109: {  	_ =	sfence.sel $0x180000  }
0x10a: {  	[bflag:$0x0] =	sbarrier.arrive $0xFFFF  }
0x10b: {  	p0 =	sne.s32 s0, $0x0;
	_ =	strace $0x90000047  }
0x10c: {  	s0 =	sadd.s32 @!p0 $0x100000, s1;
	[bflag:$0x2] =	sbarrier.arrive $0xFFFF  }
0x10d: {  	[sflag:s0] =	ssyncadd.tile.s32 @!p0 $0x1;
	_ =	shalt  }
.Lfunc_end2:
_tile_overlayer_lowered:
.L_overlay_start_2:
0x10e: {  	(tag) =	ssettag $0x2  }
0x10f: {  	s0 =	rddreg [dreg:$0x0];
	s2 =	stileid.u32  }
0x110: {  	s1 =	rddreg [dreg:$0x1];
	p0 =	sne.s32 s2, $0x0  }
0x111: {  	s3 =	rddreg [dreg:$0x2];
	[bflag:$0x3] =	sbarrier.arrive $0xFFFF;
	s2 =	simm.s32 @!p0 $0x1C03  }
0x112: {  	[timem:s3], [sflag:s2] =	dma.local @!p0 [hbm:s0], s1  }
0x113: {  	s0 =	simm.s32 @!p0 $0x3  }
0x114: {  	_ =	swait.ge @!p0 [sflag:s0], s1  }
0x115: {  	s1 =	ssub.s32 @!p0 $0x0, s1;
	[sflag:s0] =	ssyncset.done @!p0 $0x0  }
0x116: {  	[sflag:s0] =	ssyncadd.s32 @!p0 s1  }
0x117: {  	[bflag:$0x3] =	sbarrier.arrive $0xFFFF  }
0x118: {  	_ =	shalt  }

</sc_bundles>
